<compile_context>
chip_gen: v7x
topology: tpu7x:2x2x1
jax: 0.10.2.dev20260603
libtpu: 0.0.44.dev20260713+nightly
codegen_flags: <defaults>
</compile_context>

<pallas_src>
import jax
import jax.numpy as jnp
from jax import lax
from jax.experimental import pallas as pl
from jax.experimental.pallas import tpu as pltpu
from jax.experimental.pallas import tpu_sc as plsc

MAXLEN = 200
VOCAB = 1000000
EMBED = 64
BATCH = 4096

NC, NS, LANES = 2, 16, 16
NW = NC * NS
BT = BATCH * MAXLEN
B_PER_W = BT // NW
SEQ_PER_W = B_PER_W // MAXLEN
NBUF = 4
SPLIT = (104, 96)


def _body(x_hbm, tok_hbm, pos_hbm, out_hbm, idx_v, pos_v, rows_v, sem_g, sem_s):
    wid = lax.axis_index("c") * NS + lax.axis_index("s")
    base = wid * B_PER_W

    pltpu.sync_copy(x_hbm.at[pl.ds(base, B_PER_W)], idx_v)
    pltpu.sync_copy(pos_hbm, pos_v)

    def gather_start(s, b):
        off = s * MAXLEN
        pltpu.async_copy(
            tok_hbm.at[idx_v.at[pl.ds(off, SPLIT[0])]],
            rows_v.at[b, pl.ds(0, SPLIT[0])], sem_g.at[b])
        pltpu.async_copy(
            tok_hbm.at[idx_v.at[pl.ds(off + SPLIT[0], SPLIT[1])]],
            rows_v.at[b, pl.ds(SPLIT[0], SPLIT[1])], sem_g.at[b])

    def gather_wait(s, b):
        off = s * MAXLEN
        pltpu.make_async_copy(
            tok_hbm.at[idx_v.at[pl.ds(off, SPLIT[0])]],
            rows_v.at[b, pl.ds(0, SPLIT[0])], sem_g.at[b]).wait()
        pltpu.make_async_copy(
            tok_hbm.at[idx_v.at[pl.ds(off + SPLIT[0], SPLIT[1])]],
            rows_v.at[b, pl.ds(SPLIT[0], SPLIT[1])], sem_g.at[b]).wait()

    def scatter_start(s, b):
        pltpu.async_copy(
            rows_v.at[b],
            out_hbm.at[wid * SEQ_PER_W + s, :, pl.ds(0, EMBED)], sem_s.at[b])

    def scatter_wait(s, b):
        pltpu.make_async_copy(
            rows_v.at[b],
            out_hbm.at[wid * SEQ_PER_W + s, :, pl.ds(0, EMBED)],
            sem_s.at[b]).wait()

    def add_pos(b):
        @pl.loop(0, MAXLEN, unroll=4)
        def _(r):
            for d in range(EMBED // LANES):
                plsc.addupdate(
                    rows_v.at[b, r, pl.ds(d * LANES, LANES)],
                    pos_v[r, pl.ds(d * LANES, LANES)])

    for b in range(2):
        gather_start(b, b)

    @pl.loop(0, SEQ_PER_W, step=NBUF)
    def _(s0):
        for b in range(NBUF):
            s = s0 + b
            bn = (b + 2) % NBUF

            @pl.when(s >= 2)
            def _():
                scatter_wait(s - 2, bn)

            @pl.when(s + 2 < SEQ_PER_W)
            def _():
                gather_start(s + 2, bn)

            gather_wait(s, b)
            add_pos(b)
            scatter_start(s, b)

    scatter_wait(SEQ_PER_W - 2, (SEQ_PER_W - 2) % NBUF)
    scatter_wait(SEQ_PER_W - 1, (SEQ_PER_W - 1) % NBUF)


@jax.jit
def _run(x2, tok2, pos_table):
    mesh = plsc.VectorSubcoreMesh(core_axis_name="c", subcore_axis_name="s")
    return pl.kernel(
        _body,
        out_type=jax.ShapeDtypeStruct((NW * SEQ_PER_W, MAXLEN, 128),
                                      jnp.float32),
        mesh=mesh,
        compiler_params=pltpu.CompilerParams(use_tc_tiling_on_sc=False),
        scratch_types=[
            pltpu.VMEM((B_PER_W,), jnp.int32),
            pltpu.VMEM((MAXLEN, EMBED), jnp.float32),
            pltpu.VMEM((NBUF, MAXLEN, EMBED), jnp.float32),
            pltpu.SemaphoreType.DMA((NBUF,)),
            pltpu.SemaphoreType.DMA((NBUF,)),
        ],
    )(x2, tok2, pos_table)


def kernel(x, token_table, pos_table):
    tok2 = jnp.pad(token_table, ((0, 0), (0, 128 - EMBED))).reshape(
        2 * VOCAB, EMBED)
    x2 = x.reshape(BT).astype(jnp.int32) * 2
    return _run(x2, tok2, pos_table)[:, :, :EMBED]

# --- scband reference (transcript-rebuilt; emitter-appended) ---
"""Pipeline reference for scband-token-and-position-embedding-24996709663331 (READ-ONLY COPY).

The authoritative reference and input builder live on the scoring server;
editing this copy changes nothing except your own understanding.
"""

import jax, jax.numpy as jnp
import numpy as np

MAXLEN = 200
VOCAB = 1000000
EMBED = 64
BATCH = 4096

def setup_inputs(seed: int = 0) -> dict:
    key = jax.random.key(seed)
    k1, k2, k3 = jax.random.split(key, 3)
    x = jax.random.randint(k1, (BATCH, MAXLEN), 0, VOCAB, dtype=jnp.int64 if jax.config.jax_enable_x64 else jnp.int32)
    token_table = jax.random.normal(k2, (VOCAB, EMBED), dtype=jnp.float32) * 0.02
    pos_table = jax.random.normal(k3, (MAXLEN, EMBED), dtype=jnp.float32) * 0.02
    return {"x": x, "token_table": token_table, "pos_table": pos_table}

def reference(x, token_table, pos_table):
    # positions = range(0, maxlen); pos_emb(positions)
    positions = jnp.arange(MAXLEN, dtype=jnp.int32)
    pos = jnp.take(pos_table, positions, axis=0)          # [maxlen, embed]
    tok = jnp.take(token_table, x, axis=0)                # [B, maxlen, embed]
    return tok + pos[None, :, :]

if __name__ == "__main__":
    import jax
    _d = setup_inputs()
    print(jax.jit(kernel)(*tuple(_d.values())))

</pallas_src>

<mosaic_0001>
#map = affine_map<(d0, d1) -> (0)>
#map1 = affine_map<(d0, d1) -> (0, 0)>
#map2 = affine_map<(d0, d1) -> (0, 0, 0)>
module attributes {stable_mosaic.version = 14 : i64} {
  func.func @_body(%arg0: i32, %arg1: i32, %arg2: memref<819200xi32, #tpu.memory_space<hbm>>, %arg3: memref<2000000x64xf32, #tpu.memory_space<hbm>>, %arg4: memref<200x64xf32, #tpu.memory_space<hbm>>, %arg5: memref<4096x200x128xf32, #tpu.memory_space<hbm>>, %arg6: memref<25600xi32, #tpu.memory_space<vmem>>, %arg7: memref<200x64xf32, #tpu.memory_space<vmem>>, %arg8: memref<4x200x64xf32, #tpu.memory_space<vmem>>, %arg9: memref<4x!tpu.dma_semaphore, #tpu.memory_space<semaphore_mem>>, %arg10: memref<4x!tpu.dma_semaphore, #tpu.memory_space<semaphore_mem>>) attributes {dimension_semantics = [#tpu.dimension_semantics<core_parallel>, #tpu.dimension_semantics<subcore_parallel>], iteration_bounds = array<i64: 2, 16>, scalar_prefetch = 0 : i64, scratch_operands = 5 : i64, tpu.core_type = #tpu.core_type<sc_vector_subcore>, window_params = [{transform_indices = #map}, {transform_indices = #map1}, {transform_indices = #map1}, {transform_indices = #map2}]} {
    %mul3A = arith.constant 16 : i32
    %mul3A_0 = arith.muli %arg0, %mul3A : i32
    %add3A = arith.addi %mul3A_0, %arg1 : i32
    %mul3A_1 = arith.constant 25600 : i32
    %mul3A_2 = arith.muli %add3A, %mul3A_1 : i32
    "tpu.region"() ({
      %run_scoped3A = tpu.sem_alloc : memref<!tpu.dma_semaphore, #tpu.memory_space<semaphore_mem>>
      %dma_start3A_105 = tpu.memref_slice %arg2[%mul3A_2] : memref<819200xi32, #tpu.memory_space<hbm>> -> memref<25600xi32, #tpu.memory_space<hbm>>
      %dma_start3A_106 = tpu.memref_slice %arg2[%mul3A_2] : memref<819200xi32, #tpu.memory_space<hbm>> -> memref<25600xi32, #tpu.memory_space<hbm>>
      tpu.enqueue_dma source(%dma_start3A_106 : memref<25600xi32, #tpu.memory_space<hbm>>) target(%arg6 : memref<25600xi32, #tpu.memory_space<vmem>>) target_semaphore(%run_scoped3A : memref<!tpu.dma_semaphore, #tpu.memory_space<semaphore_mem>>)
      %dma_wait3A_107 = tpu.memref_slice %arg2[%mul3A_2] : memref<819200xi32, #tpu.memory_space<hbm>> -> memref<25600xi32, #tpu.memory_space<hbm>>
      %dma_wait3A_108 = tpu.memref_slice %arg2[%mul3A_2] : memref<819200xi32, #tpu.memory_space<hbm>> -> memref<25600xi32, #tpu.memory_space<hbm>>
      tpu.wait_dma2 semaphore(%run_scoped3A : memref<!tpu.dma_semaphore, #tpu.memory_space<semaphore_mem>>) src(%dma_wait3A_108 : memref<25600xi32, #tpu.memory_space<hbm>>) dst(%arg6 : memref<25600xi32, #tpu.memory_space<vmem>>)
      tpu.yield
    }) : () -> ()
    "tpu.region"() ({
      %run_scoped3A = tpu.sem_alloc : memref<!tpu.dma_semaphore, #tpu.memory_space<semaphore_mem>>
      tpu.enqueue_dma source(%arg4 : memref<200x64xf32, #tpu.memory_space<hbm>>) target(%arg7 : memref<200x64xf32, #tpu.memory_space<vmem>>) target_semaphore(%run_scoped3A : memref<!tpu.dma_semaphore, #tpu.memory_space<semaphore_mem>>)
      tpu.wait_dma2 semaphore(%run_scoped3A : memref<!tpu.dma_semaphore, #tpu.memory_space<semaphore_mem>>) src(%arg4 : memref<200x64xf32, #tpu.memory_space<hbm>>) dst(%arg7 : memref<200x64xf32, #tpu.memory_space<vmem>>)
      tpu.yield
    }) : () -> ()
    %dma_start3A = arith.constant 0 : i32
    %dma_start3A_3 = arith.constant 0 : i32
    %dma_start3A_4 = arith.constant 0 : i32
    %dma_start3A_5 = arith.constant 0 : i32
    %dma_start3A_6 = tpu.memref_slice %arg8[%dma_start3A, %dma_start3A_4, %dma_start3A_5] : memref<4x200x64xf32, #tpu.memory_space<vmem>> -> memref<1x104x64xf32, #tpu.memory_space<vmem>>
    %dma_start3A_7 = tpu.memref_squeeze %dma_start3A_6 : memref<1x104x64xf32, #tpu.memory_space<vmem>> -> memref<104x64xf32, #tpu.memory_space<vmem>>
    %dma_start3A_8 = arith.constant 0 : i32
    %dma_start3A_9 = tpu.memref_slice %arg6[%dma_start3A_8] : memref<25600xi32, #tpu.memory_space<vmem>> -> memref<104xi32, #tpu.memory_space<vmem>>
    %dma_start3A_10 = arith.constant 0 : i32
    %dma_start3A_11 = arith.constant 0 : i32
    %dma_start3A_12 = tpu.memref_slice %arg3[%dma_start3A_10, %dma_start3A_11] : memref<2000000x64xf32, #tpu.memory_space<hbm>> -> memref<2000000x64xf32, #tpu.memory_space<hbm>>
    %dma_start3A_13 = tpu.memref_slice %arg9[%dma_start3A_3] : memref<4x!tpu.dma_semaphore, #tpu.memory_space<semaphore_mem>> -> memref<1x!tpu.dma_semaphore, #tpu.memory_space<semaphore_mem>>
    %dma_start3A_14 = tpu.memref_squeeze %dma_start3A_13 : memref<1x!tpu.dma_semaphore, #tpu.memory_space<semaphore_mem>> -> memref<!tpu.dma_semaphore, #tpu.memory_space<semaphore_mem>>
    tpu.enqueue_indirect_dma source(%dma_start3A_12 : memref<2000000x64xf32, #tpu.memory_space<hbm>>) target(%dma_start3A_7 : memref<104x64xf32, #tpu.memory_space<vmem>>) offsets(%dma_start3A_9 : memref<104xi32, #tpu.memory_space<vmem>>) semaphore(%dma_start3A_14 : memref<!tpu.dma_semaphore, #tpu.memory_space<semaphore_mem>>)
    %dma_start3A_15 = arith.constant 0 : i32
    %dma_start3A_16 = arith.constant 0 : i32
    %dma_start3A_17 = arith.constant 104 : i32
    %dma_start3A_18 = arith.constant 0 : i32
    %dma_start3A_19 = tpu.memref_slice %arg8[%dma_start3A_15, %dma_start3A_17, %dma_start3A_18] : memref<4x200x64xf32, #tpu.memory_space<vmem>> -> memref<1x96x64xf32, #tpu.memory_space<vmem>>
    %dma_start3A_20 = tpu.memref_squeeze %dma_start3A_19 : memref<1x96x64xf32, #tpu.memory_space<vmem>> -> memref<96x64xf32, #tpu.memory_space<vmem>>
    %dma_start3A_21 = arith.constant 104 : i32
    %dma_start3A_22 = tpu.memref_slice %arg6[%dma_start3A_21] : memref<25600xi32, #tpu.memory_space<vmem>> -> memref<96xi32, #tpu.memory_space<vmem>>
    %dma_start3A_23 = arith.constant 0 : i32
    %dma_start3A_24 = arith.constant 0 : i32
    %dma_start3A_25 = tpu.memref_slice %arg3[%dma_start3A_23, %dma_start3A_24] : memref<2000000x64xf32, #tpu.memory_space<hbm>> -> memref<2000000x64xf32, #tpu.memory_space<hbm>>
    %dma_start3A_26 = tpu.memref_slice %arg9[%dma_start3A_16] : memref<4x!tpu.dma_semaphore, #tpu.memory_space<semaphore_mem>> -> memref<1x!tpu.dma_semaphore, #tpu.memory_space<semaphore_mem>>
    %dma_start3A_27 = tpu.memref_squeeze %dma_start3A_26 : memref<1x!tpu.dma_semaphore, #tpu.memory_space<semaphore_mem>> -> memref<!tpu.dma_semaphore, #tpu.memory_space<semaphore_mem>>
    tpu.enqueue_indirect_dma source(%dma_start3A_25 : memref<2000000x64xf32, #tpu.memory_space<hbm>>) target(%dma_start3A_20 : memref<96x64xf32, #tpu.memory_space<vmem>>) offsets(%dma_start3A_22 : memref<96xi32, #tpu.memory_space<vmem>>) semaphore(%dma_start3A_27 : memref<!tpu.dma_semaphore, #tpu.memory_space<semaphore_mem>>)
    %dma_start3A_28 = arith.constant 1 : i32
    %dma_start3A_29 = arith.constant 1 : i32
    %dma_start3A_30 = arith.constant 0 : i32
    %dma_start3A_31 = arith.constant 0 : i32
    %dma_start3A_32 = tpu.memref_slice %arg8[%dma_start3A_28, %dma_start3A_30, %dma_start3A_31] : memref<4x200x64xf32, #tpu.memory_space<vmem>> -> memref<1x104x64xf32, #tpu.memory_space<vmem>>
    %dma_start3A_33 = tpu.memref_squeeze %dma_start3A_32 : memref<1x104x64xf32, #tpu.memory_space<vmem>> -> memref<104x64xf32, #tpu.memory_space<vmem>>
    %dma_start3A_34 = arith.constant 200 : i32
    %dma_start3A_35 = tpu.memref_slice %arg6[%dma_start3A_34] : memref<25600xi32, #tpu.memory_space<vmem>> -> memref<104xi32, #tpu.memory_space<vmem>>
    %dma_start3A_36 = arith.constant 0 : i32
    %dma_start3A_37 = arith.constant 0 : i32
    %dma_start3A_38 = tpu.memref_slice %arg3[%dma_start3A_36, %dma_start3A_37] : memref<2000000x64xf32, #tpu.memory_space<hbm>> -> memref<2000000x64xf32, #tpu.memory_space<hbm>>
    %dma_start3A_39 = tpu.memref_slice %arg9[%dma_start3A_29] : memref<4x!tpu.dma_semaphore, #tpu.memory_space<semaphore_mem>> -> memref<1x!tpu.dma_semaphore, #tpu.memory_space<semaphore_mem>>
    %dma_start3A_40 = tpu.memref_squeeze %dma_start3A_39 : memref<1x!tpu.dma_semaphore, #tpu.memory_space<semaphore_mem>> -> memref<!tpu.dma_semaphore, #tpu.memory_space<semaphore_mem>>
    tpu.enqueue_indirect_dma source(%dma_start3A_38 : memref<2000000x64xf32, #tpu.memory_space<hbm>>) target(%dma_start3A_33 : memref<104x64xf32, #tpu.memory_space<vmem>>) offsets(%dma_start3A_35 : memref<104xi32, #tpu.memory_space<vmem>>) semaphore(%dma_start3A_40 : memref<!tpu.dma_semaphore, #tpu.memory_space<semaphore_mem>>)
    %dma_start3A_41 = arith.constant 1 : i32
    %dma_start3A_42 = arith.constant 1 : i32
    %dma_start3A_43 = arith.constant 104 : i32
    %dma_start3A_44 = arith.constant 0 : i32
    %dma_start3A_45 = tpu.memref_slice %arg8[%dma_start3A_41, %dma_start3A_43, %dma_start3A_44] : memref<4x200x64xf32, #tpu.memory_space<vmem>> -> memref<1x96x64xf32, #tpu.memory_space<vmem>>
    %dma_start3A_46 = tpu.memref_squeeze %dma_start3A_45 : memref<1x96x64xf32, #tpu.memory_space<vmem>> -> memref<96x64xf32, #tpu.memory_space<vmem>>
    %dma_start3A_47 = arith.constant 304 : i32
    %dma_start3A_48 = tpu.memref_slice %arg6[%dma_start3A_47] : memref<25600xi32, #tpu.memory_space<vmem>> -> memref<96xi32, #tpu.memory_space<vmem>>
    %dma_start3A_49 = arith.constant 0 : i32
    %dma_start3A_50 = arith.constant 0 : i32
    %dma_start3A_51 = tpu.memref_slice %arg3[%dma_start3A_49, %dma_start3A_50] : memref<2000000x64xf32, #tpu.memory_space<hbm>> -> memref<2000000x64xf32, #tpu.memory_space<hbm>>
    %dma_start3A_52 = tpu.memref_slice %arg9[%dma_start3A_42] : memref<4x!tpu.dma_semaphore, #tpu.memory_space<semaphore_mem>> -> memref<1x!tpu.dma_semaphore, #tpu.memory_space<semaphore_mem>>
    %dma_start3A_53 = tpu.memref_squeeze %dma_start3A_52 : memref<1x!tpu.dma_semaphore, #tpu.memory_space<semaphore_mem>> -> memref<!tpu.dma_semaphore, #tpu.memory_space<semaphore_mem>>
    tpu.enqueue_indirect_dma source(%dma_start3A_51 : memref<2000000x64xf32, #tpu.memory_space<hbm>>) target(%dma_start3A_46 : memref<96x64xf32, #tpu.memory_space<vmem>>) offsets(%dma_start3A_48 : memref<96xi32, #tpu.memory_space<vmem>>) semaphore(%dma_start3A_53 : memref<!tpu.dma_semaphore, #tpu.memory_space<semaphore_mem>>)
    %scan3A = arith.constant 0 : i32
    %scan3A_54 = arith.constant 32 : i32
    %scan3A_55 = arith.addi %scan3A, %scan3A_54 : i32
    %scan3A_56 = arith.constant 1 : i32
    scf.for %scan3A_105 = %scan3A to %scan3A_55 step %scan3A_56  : i32 {
      %mul3A_106 = arith.constant 4 : i32
      %mul3A_107 = arith.muli %scan3A_105, %mul3A_106 : i32
      %add3A_108 = arith.constant 0 : i32
      %add3A_109 = arith.addi %add3A_108, %mul3A_107 : i32
      %add3A_110 = arith.constant 0 : i32
      %add3A_111 = arith.addi %add3A_109, %add3A_110 : i32
      %ge3A = arith.constant 2 : i32
      %ge3A_112 = arith.cmpi sge, %add3A_111, %ge3A : i32
      %convert_element_type3A = arith.extui %ge3A_112 : i1 to i32
      %cond3A = arith.constant 0 : i32
      %cond3A_113 = arith.cmpi ne, %convert_element_type3A, %cond3A : i32
      scf.if %cond3A_113 {
        %sub3A = arith.constant 2 : i32
        %sub3A_386 = arith.subi %add3A_111, %sub3A : i32
        %mul3A_387 = arith.constant 128 : i32
        %mul3A_388 = arith.muli %add3A, %mul3A_387 : i32
        %add3A_389 = arith.addi %mul3A_388, %sub3A_386 : i32
        %dma_wait3A_390 = arith.constant 2 : i32
        %dma_wait3A_391 = arith.constant 2 : i32
        %dma_wait3A_392 = arith.constant 0 : i32
        %dma_wait3A_393 = arith.constant 0 : i32
        %dma_wait3A_394 = tpu.memref_slice %arg8[%dma_wait3A_390, %dma_wait3A_392, %dma_wait3A_393] : memref<4x200x64xf32, #tpu.memory_space<vmem>> -> memref<1x200x64xf32, #tpu.memory_space<vmem>>
        %dma_wait3A_395 = tpu.memref_squeeze %dma_wait3A_394 : memref<1x200x64xf32, #tpu.memory_space<vmem>> -> memref<200x64xf32, #tpu.memory_space<vmem>>
        %dma_wait3A_396 = arith.constant 0 : i32
        %dma_wait3A_397 = arith.constant 0 : i32
        %dma_wait3A_398 = tpu.memref_slice %arg5[%add3A_389, %dma_wait3A_396, %dma_wait3A_397] : memref<4096x200x128xf32, #tpu.memory_space<hbm>> -> memref<1x200x64xf32, #tpu.memory_space<hbm>>
        %dma_wait3A_399 = tpu.memref_squeeze %dma_wait3A_398 : memref<1x200x64xf32, #tpu.memory_space<hbm>> -> memref<200x64xf32, #tpu.memory_space<hbm>>
        %dma_wait3A_400 = tpu.memref_slice %arg10[%dma_wait3A_391] : memref<4x!tpu.dma_semaphore, #tpu.memory_space<semaphore_mem>> -> memref<1x!tpu.dma_semaphore, #tpu.memory_space<semaphore_mem>>
        %dma_wait3A_401 = tpu.memref_squeeze %dma_wait3A_400 : memref<1x!tpu.dma_semaphore, #tpu.memory_space<semaphore_mem>> -> memref<!tpu.dma_semaphore, #tpu.memory_space<semaphore_mem>>
        %dma_wait3A_402 = arith.constant 0 : i32
        %dma_wait3A_403 = arith.constant 0 : i32
        %dma_wait3A_404 = tpu.memref_slice %arg5[%add3A_389, %dma_wait3A_402, %dma_wait3A_403] : memref<4096x200x128xf32, #tpu.memory_space<hbm>> -> memref<1x200x64xf32, #tpu.memory_space<hbm>>
        %dma_wait3A_405 = tpu.memref_squeeze %dma_wait3A_404 : memref<1x200x64xf32, #tpu.memory_space<hbm>> -> memref<200x64xf32, #tpu.memory_space<hbm>>
        %dma_wait3A_406 = arith.constant 0 : i32
        %dma_wait3A_407 = arith.constant 0 : i32
        %dma_wait3A_408 = tpu.memref_slice %arg8[%dma_wait3A_390, %dma_wait3A_406, %dma_wait3A_407] : memref<4x200x64xf32, #tpu.memory_space<vmem>> -> memref<1x200x64xf32, #tpu.memory_space<vmem>>
        %dma_wait3A_409 = tpu.memref_squeeze %dma_wait3A_408 : memref<1x200x64xf32, #tpu.memory_space<vmem>> -> memref<200x64xf32, #tpu.memory_space<vmem>>
        tpu.wait_dma2 semaphore(%dma_wait3A_401 : memref<!tpu.dma_semaphore, #tpu.memory_space<semaphore_mem>>) src(%dma_wait3A_409 : memref<200x64xf32, #tpu.memory_space<vmem>>) dst(%dma_wait3A_405 : memref<200x64xf32, #tpu.memory_space<hbm>>)
      } else {
      }
      %add3A_114 = arith.constant 2 : i32
      %add3A_115 = arith.addi %add3A_111, %add3A_114 : i32
      %lt3A = arith.constant 128 : i32
      %lt3A_116 = arith.cmpi slt, %add3A_115, %lt3A : i32
      %convert_element_type3A_117 = arith.extui %lt3A_116 : i1 to i32
      %cond3A_118 = arith.constant 0 : i32
      %cond3A_119 = arith.cmpi ne, %convert_element_type3A_117, %cond3A_118 : i32
      scf.if %cond3A_119 {
        %add3A_386 = arith.constant 2 : i32
        %add3A_387 = arith.addi %add3A_111, %add3A_386 : i32
        %mul3A_388 = arith.constant 200 : i32
        %mul3A_389 = arith.muli %add3A_387, %mul3A_388 : i32
        %dma_start3A_390 = arith.constant 2 : i32
        %dma_start3A_391 = arith.constant 2 : i32
        %dma_start3A_392 = arith.constant 0 : i32
        %dma_start3A_393 = arith.constant 0 : i32
        %dma_start3A_394 = tpu.memref_slice %arg8[%dma_start3A_390, %dma_start3A_392, %dma_start3A_393] : memref<4x200x64xf32, #tpu.memory_space<vmem>> -> memref<1x104x64xf32, #tpu.memory_space<vmem>>
        %dma_start3A_395 = tpu.memref_squeeze %dma_start3A_394 : memref<1x104x64xf32, #tpu.memory_space<vmem>> -> memref<104x64xf32, #tpu.memory_space<vmem>>
        %dma_start3A_396 = tpu.memref_slice %arg6[%mul3A_389] : memref<25600xi32, #tpu.memory_space<vmem>> -> memref<104xi32, #tpu.memory_space<vmem>>
        %dma_start3A_397 = arith.constant 0 : i32
        %dma_start3A_398 = arith.constant 0 : i32
        %dma_start3A_399 = tpu.memref_slice %arg3[%dma_start3A_397, %dma_start3A_398] : memref<2000000x64xf32, #tpu.memory_space<hbm>> -> memref<2000000x64xf32, #tpu.memory_space<hbm>>
        %dma_start3A_400 = tpu.memref_slice %arg9[%dma_start3A_391] : memref<4x!tpu.dma_semaphore, #tpu.memory_space<semaphore_mem>> -> memref<1x!tpu.dma_semaphore, #tpu.memory_space<semaphore_mem>>
        %dma_start3A_401 = tpu.memref_squeeze %dma_start3A_400 : memref<1x!tpu.dma_semaphore, #tpu.memory_space<semaphore_mem>> -> memref<!tpu.dma_semaphore, #tpu.memory_space<semaphore_mem>>
        tpu.enqueue_indirect_dma source(%dma_start3A_399 : memref<2000000x64xf32, #tpu.memory_space<hbm>>) target(%dma_start3A_395 : memref<104x64xf32, #tpu.memory_space<vmem>>) offsets(%dma_start3A_396 : memref<104xi32, #tpu.memory_space<vmem>>) semaphore(%dma_start3A_401 : memref<!tpu.dma_semaphore, #tpu.memory_space<semaphore_mem>>)
        %add3A_402 = arith.constant 104 : i32
        %add3A_403 = arith.addi %mul3A_389, %add3A_402 : i32
        %dma_start3A_404 = arith.constant 2 : i32
        %dma_start3A_405 = arith.constant 2 : i32
        %dma_start3A_406 = arith.constant 104 : i32
        %dma_start3A_407 = arith.constant 0 : i32
        %dma_start3A_408 = tpu.memref_slice %arg8[%dma_start3A_404, %dma_start3A_406, %dma_start3A_407] : memref<4x200x64xf32, #tpu.memory_space<vmem>> -> memref<1x96x64xf32, #tpu.memory_space<vmem>>
        %dma_start3A_409 = tpu.memref_squeeze %dma_start3A_408 : memref<1x96x64xf32, #tpu.memory_space<vmem>> -> memref<96x64xf32, #tpu.memory_space<vmem>>
        %dma_start3A_410 = tpu.memref_slice %arg6[%add3A_403] : memref<25600xi32, #tpu.memory_space<vmem>> -> memref<96xi32, #tpu.memory_space<vmem>>
        %dma_start3A_411 = arith.constant 0 : i32
        %dma_start3A_412 = arith.constant 0 : i32
        %dma_start3A_413 = tpu.memref_slice %arg3[%dma_start3A_411, %dma_start3A_412] : memref<2000000x64xf32, #tpu.memory_space<hbm>> -> memref<2000000x64xf32, #tpu.memory_space<hbm>>
        %dma_start3A_414 = tpu.memref_slice %arg9[%dma_start3A_405] : memref<4x!tpu.dma_semaphore, #tpu.memory_space<semaphore_mem>> -> memref<1x!tpu.dma_semaphore, #tpu.memory_space<semaphore_mem>>
        %dma_start3A_415 = tpu.memref_squeeze %dma_start3A_414 : memref<1x!tpu.dma_semaphore, #tpu.memory_space<semaphore_mem>> -> memref<!tpu.dma_semaphore, #tpu.memory_space<semaphore_mem>>
        tpu.enqueue_indirect_dma source(%dma_start3A_413 : memref<2000000x64xf32, #tpu.memory_space<hbm>>) target(%dma_start3A_409 : memref<96x64xf32, #tpu.memory_space<vmem>>) offsets(%dma_start3A_410 : memref<96xi32, #tpu.memory_space<vmem>>) semaphore(%dma_start3A_415 : memref<!tpu.dma_semaphore, #tpu.memory_space<semaphore_mem>>)
      } else {
      }
      %mul3A_120 = arith.constant 200 : i32
      %mul3A_121 = arith.muli %add3A_111, %mul3A_120 : i32
      %dma_wait3A_122 = arith.constant 0 : i32
      %dma_wait3A_123 = arith.constant 0 : i32
      %dma_wait3A_124 = arith.constant 0 : i32
      %dma_wait3A_125 = arith.constant 0 : i32
      %dma_wait3A_126 = tpu.memref_slice %arg8[%dma_wait3A_122, %dma_wait3A_124, %dma_wait3A_125] : memref<4x200x64xf32, #tpu.memory_space<vmem>> -> memref<1x104x64xf32, #tpu.memory_space<vmem>>
      %dma_wait3A_127 = tpu.memref_squeeze %dma_wait3A_126 : memref<1x104x64xf32, #tpu.memory_space<vmem>> -> memref<104x64xf32, #tpu.memory_space<vmem>>
      %dma_wait3A_128 = tpu.memref_slice %arg6[%mul3A_121] : memref<25600xi32, #tpu.memory_space<vmem>> -> memref<104xi32, #tpu.memory_space<vmem>>
      %dma_wait3A_129 = arith.constant 0 : i32
      %dma_wait3A_130 = arith.constant 0 : i32
      %dma_wait3A_131 = tpu.memref_slice %arg3[%dma_wait3A_129, %dma_wait3A_130] : memref<2000000x64xf32, #tpu.memory_space<hbm>> -> memref<2000000x64xf32, #tpu.memory_space<hbm>>
      %dma_wait3A_132 = tpu.memref_slice %arg9[%dma_wait3A_123] : memref<4x!tpu.dma_semaphore, #tpu.memory_space<semaphore_mem>> -> memref<1x!tpu.dma_semaphore, #tpu.memory_space<semaphore_mem>>
      %dma_wait3A_133 = tpu.memref_squeeze %dma_wait3A_132 : memref<1x!tpu.dma_semaphore, #tpu.memory_space<semaphore_mem>> -> memref<!tpu.dma_semaphore, #tpu.memory_space<semaphore_mem>>
      tpu.wait_indirect_dma semaphore(%dma_wait3A_133 : memref<!tpu.dma_semaphore, #tpu.memory_space<semaphore_mem>>) src(%dma_wait3A_131 : memref<2000000x64xf32, #tpu.memory_space<hbm>>) dst(%dma_wait3A_127 : memref<104x64xf32, #tpu.memory_space<vmem>>)
      %add3A_134 = arith.constant 104 : i32
      %add3A_135 = arith.addi %mul3A_121, %add3A_134 : i32
      %dma_wait3A_136 = arith.constant 0 : i32
      %dma_wait3A_137 = arith.constant 0 : i32
      %dma_wait3A_138 = arith.constant 104 : i32
      %dma_wait3A_139 = arith.constant 0 : i32
      %dma_wait3A_140 = tpu.memref_slice %arg8[%dma_wait3A_136, %dma_wait3A_138, %dma_wait3A_139] : memref<4x200x64xf32, #tpu.memory_space<vmem>> -> memref<1x96x64xf32, #tpu.memory_space<vmem>>
      %dma_wait3A_141 = tpu.memref_squeeze %dma_wait3A_140 : memref<1x96x64xf32, #tpu.memory_space<vmem>> -> memref<96x64xf32, #tpu.memory_space<vmem>>
      %dma_wait3A_142 = tpu.memref_slice %arg6[%add3A_135] : memref<25600xi32, #tpu.memory_space<vmem>> -> memref<96xi32, #tpu.memory_space<vmem>>
      %dma_wait3A_143 = arith.constant 0 : i32
      %dma_wait3A_144 = arith.constant 0 : i32
      %dma_wait3A_145 = tpu.memref_slice %arg3[%dma_wait3A_143, %dma_wait3A_144] : memref<2000000x64xf32, #tpu.memory_space<hbm>> -> memref<2000000x64xf32, #tpu.memory_space<hbm>>
      %dma_wait3A_146 = tpu.memref_slice %arg9[%dma_wait3A_137] : memref<4x!tpu.dma_semaphore, #tpu.memory_space<semaphore_mem>> -> memref<1x!tpu.dma_semaphore, #tpu.memory_space<semaphore_mem>>
      %dma_wait3A_147 = tpu.memref_squeeze %dma_wait3A_146 : memref<1x!tpu.dma_semaphore, #tpu.memory_space<semaphore_mem>> -> memref<!tpu.dma_semaphore, #tpu.memory_space<semaphore_mem>>
      tpu.wait_indirect_dma semaphore(%dma_wait3A_147 : memref<!tpu.dma_semaphore, #tpu.memory_space<semaphore_mem>>) src(%dma_wait3A_145 : memref<2000000x64xf32, #tpu.memory_space<hbm>>) dst(%dma_wait3A_141 : memref<96x64xf32, #tpu.memory_space<vmem>>)
      %scan3A_148 = arith.constant 0 : i32
      %scan3A_149 = arith.constant 200 : i32
      %scan3A_150 = arith.addi %scan3A_148, %scan3A_149 : i32
      %scan3A_151 = arith.constant 4 : i32
      scf.for %scan3A_386 = %scan3A_148 to %scan3A_150 step %scan3A_151  : i32 {
        %mul3A_387 = arith.constant 1 : i32
        %mul3A_388 = arith.muli %scan3A_386, %mul3A_387 : i32
        %add3A_389 = arith.constant 0 : i32
        %add3A_390 = arith.addi %add3A_389, %mul3A_388 : i32
        %get3A = arith.index_cast %add3A_390 : i32 to index
        %get3A_391 = arith.constant 0 : index
        %get3A_392 = tpu.vector_load %arg7[%get3A, %get3A_391] {strides = array<i32>} : memref<200x64xf32, #tpu.memory_space<vmem>>, vector<1x16xf32>,
        %get3A_393 = vector.shape_cast %get3A_392 : vector<1x16xf32> to vector<16xf32>
        %swap3A = arith.constant 0 : i32
        %swap3A_394 = arith.index_cast %swap3A : i32 to index
        %swap3A_395 = arith.index_cast %add3A_390 : i32 to index
        %swap3A_396 = arith.constant 0 : index
        %swap3A_397 = tpu.vector_load %arg8[%swap3A_394, %swap3A_395, %swap3A_396] {strides = array<i32>} : memref<4x200x64xf32, #tpu.memory_space<vmem>>, vector<1x1x16xf32>,
        %swap3A_398 = vector.shape_cast %swap3A_397 : vector<1x1x16xf32> to vector<16xf32>
        %swap3A_399 = vector.shape_cast %get3A_393 : vector<16xf32> to vector<1x1x16xf32>
        tpu.vector_store %arg8[%swap3A_394, %swap3A_395, %swap3A_396], %swap3A_399 {add = true, strides = array<i32>} : memref<4x200x64xf32, #tpu.memory_space<vmem>>, vector<1x1x16xf32>,
        %get3A_400 = arith.index_cast %add3A_390 : i32 to index
        %get3A_401 = arith.constant 16 : index
        %get3A_402 = tpu.vector_load %arg7[%get3A_400, %get3A_401] {strides = array<i32>} : memref<200x64xf32, #tpu.memory_space<vmem>>, vector<1x16xf32>,
        %get3A_403 = vector.shape_cast %get3A_402 : vector<1x16xf32> to vector<16xf32>
        %swap3A_404 = arith.constant 0 : i32
        %swap3A_405 = arith.index_cast %swap3A_404 : i32 to index
        %swap3A_406 = arith.index_cast %add3A_390 : i32 to index
        %swap3A_407 = arith.constant 16 : index
        %swap3A_408 = tpu.vector_load %arg8[%swap3A_405, %swap3A_406, %swap3A_407] {strides = array<i32>} : memref<4x200x64xf32, #tpu.memory_space<vmem>>, vector<1x1x16xf32>,
        %swap3A_409 = vector.shape_cast %swap3A_408 : vector<1x1x16xf32> to vector<16xf32>
        %swap3A_410 = vector.shape_cast %get3A_403 : vector<16xf32> to vector<1x1x16xf32>
        tpu.vector_store %arg8[%swap3A_405, %swap3A_406, %swap3A_407], %swap3A_410 {add = true, strides = array<i32>} : memref<4x200x64xf32, #tpu.memory_space<vmem>>, vector<1x1x16xf32>,
        %get3A_411 = arith.index_cast %add3A_390 : i32 to index
        %get3A_412 = arith.constant 32 : index
        %get3A_413 = tpu.vector_load %arg7[%get3A_411, %get3A_412] {strides = array<i32>} : memref<200x64xf32, #tpu.memory_space<vmem>>, vector<1x16xf32>,
        %get3A_414 = vector.shape_cast %get3A_413 : vector<1x16xf32> to vector<16xf32>
        %swap3A_415 = arith.constant 0 : i32
        %swap3A_416 = arith.index_cast %swap3A_415 : i32 to index
        %swap3A_417 = arith.index_cast %add3A_390 : i32 to index
        %swap3A_418 = arith.constant 32 : index
        %swap3A_419 = tpu.vector_load %arg8[%swap3A_416, %swap3A_417, %swap3A_418] {strides = array<i32>} : memref<4x200x64xf32, #tpu.memory_space<vmem>>, vector<1x1x16xf32>,
        %swap3A_420 = vector.shape_cast %swap3A_419 : vector<1x1x16xf32> to vector<16xf32>
        %swap3A_421 = vector.shape_cast %get3A_414 : vector<16xf32> to vector<1x1x16xf32>
        tpu.vector_store %arg8[%swap3A_416, %swap3A_417, %swap3A_418], %swap3A_421 {add = true, strides = array<i32>} : memref<4x200x64xf32, #tpu.memory_space<vmem>>, vector<1x1x16xf32>,
        %get3A_422 = arith.index_cast %add3A_390 : i32 to index
        %get3A_423 = arith.constant 48 : index
        %get3A_424 = tpu.vector_load %arg7[%get3A_422, %get3A_423] {strides = array<i32>} : memref<200x64xf32, #tpu.memory_space<vmem>>, vector<1x16xf32>,
        %get3A_425 = vector.shape_cast %get3A_424 : vector<1x16xf32> to vector<16xf32>
        %swap3A_426 = arith.constant 0 : i32
        %swap3A_427 = arith.index_cast %swap3A_426 : i32 to index
        %swap3A_428 = arith.index_cast %add3A_390 : i32 to index
        %swap3A_429 = arith.constant 48 : index
        %swap3A_430 = tpu.vector_load %arg8[%swap3A_427, %swap3A_428, %swap3A_429] {strides = array<i32>} : memref<4x200x64xf32, #tpu.memory_space<vmem>>, vector<1x1x16xf32>,
        %swap3A_431 = vector.shape_cast %swap3A_430 : vector<1x1x16xf32> to vector<16xf32>
        %swap3A_432 = vector.shape_cast %get3A_425 : vector<16xf32> to vector<1x1x16xf32>
        tpu.vector_store %arg8[%swap3A_427, %swap3A_428, %swap3A_429], %swap3A_432 {add = true, strides = array<i32>} : memref<4x200x64xf32, #tpu.memory_space<vmem>>, vector<1x1x16xf32>,
        %scan3A_433 = arith.constant 1 : i32
        %scan3A_434 = arith.addi %scan3A_386, %scan3A_433 : i32
        %mul3A_435 = arith.constant 1 : i32
        %mul3A_436 = arith.muli %scan3A_434, %mul3A_435 : i32
        %add3A_437 = arith.constant 0 : i32
        %add3A_438 = arith.addi %add3A_437, %mul3A_436 : i32
        %get3A_439 = arith.index_cast %add3A_438 : i32 to index
        %get3A_440 = arith.constant 0 : index
        %get3A_441 = tpu.vector_load %arg7[%get3A_439, %get3A_440] {strides = array<i32>} : memref<200x64xf32, #tpu.memory_space<vmem>>, vector<1x16xf32>,
        %get3A_442 = vector.shape_cast %get3A_441 : vector<1x16xf32> to vector<16xf32>
        %swap3A_443 = arith.constant 0 : i32
        %swap3A_444 = arith.index_cast %swap3A_443 : i32 to index
        %swap3A_445 = arith.index_cast %add3A_438 : i32 to index
        %swap3A_446 = arith.constant 0 : index
        %swap3A_447 = tpu.vector_load %arg8[%swap3A_444, %swap3A_445, %swap3A_446] {strides = array<i32>} : memref<4x200x64xf32, #tpu.memory_space<vmem>>, vector<1x1x16xf32>,
        %swap3A_448 = vector.shape_cast %swap3A_447 : vector<1x1x16xf32> to vector<16xf32>
        %swap3A_449 = vector.shape_cast %get3A_442 : vector<16xf32> to vector<1x1x16xf32>
        tpu.vector_store %arg8[%swap3A_444, %swap3A_445, %swap3A_446], %swap3A_449 {add = true, strides = array<i32>} : memref<4x200x64xf32, #tpu.memory_space<vmem>>, vector<1x1x16xf32>,
        %get3A_450 = arith.index_cast %add3A_438 : i32 to index
        %get3A_451 = arith.constant 16 : index
        %get3A_452 = tpu.vector_load %arg7[%get3A_450, %get3A_451] {strides = array<i32>} : memref<200x64xf32, #tpu.memory_space<vmem>>, vector<1x16xf32>,
        %get3A_453 = vector.shape_cast %get3A_452 : vector<1x16xf32> to vector<16xf32>
        %swap3A_454 = arith.constant 0 : i32
        %swap3A_455 = arith.index_cast %swap3A_454 : i32 to index
        %swap3A_456 = arith.index_cast %add3A_438 : i32 to index
        %swap3A_457 = arith.constant 16 : index
        %swap3A_458 = tpu.vector_load %arg8[%swap3A_455, %swap3A_456, %swap3A_457] {strides = array<i32>} : memref<4x200x64xf32, #tpu.memory_space<vmem>>, vector<1x1x16xf32>,
        %swap3A_459 = vector.shape_cast %swap3A_458 : vector<1x1x16xf32> to vector<16xf32>
        %swap3A_460 = vector.shape_cast %get3A_453 : vector<16xf32> to vector<1x1x16xf32>
        tpu.vector_store %arg8[%swap3A_455, %swap3A_456, %swap3A_457], %swap3A_460 {add = true, strides = array<i32>} : memref<4x200x64xf32, #tpu.memory_space<vmem>>, vector<1x1x16xf32>,
        %get3A_461 = arith.index_cast %add3A_438 : i32 to index
        %get3A_462 = arith.constant 32 : index
        %get3A_463 = tpu.vector_load %arg7[%get3A_461, %get3A_462] {strides = array<i32>} : memref<200x64xf32, #tpu.memory_space<vmem>>, vector<1x16xf32>,
        %get3A_464 = vector.shape_cast %get3A_463 : vector<1x16xf32> to vector<16xf32>
        %swap3A_465 = arith.constant 0 : i32
        %swap3A_466 = arith.index_cast %swap3A_465 : i32 to index
        %swap3A_467 = arith.index_cast %add3A_438 : i32 to index
        %swap3A_468 = arith.constant 32 : index
        %swap3A_469 = tpu.vector_load %arg8[%swap3A_466, %swap3A_467, %swap3A_468] {strides = array<i32>} : memref<4x200x64xf32, #tpu.memory_space<vmem>>, vector<1x1x16xf32>,
        %swap3A_470 = vector.shape_cast %swap3A_469 : vector<1x1x16xf32> to vector<16xf32>
        %swap3A_471 = vector.shape_cast %get3A_464 : vector<16xf32> to vector<1x1x16xf32>
        tpu.vector_store %arg8[%swap3A_466, %swap3A_467, %swap3A_468], %swap3A_471 {add = true, strides = array<i32>} : memref<4x200x64xf32, #tpu.memory_space<vmem>>, vector<1x1x16xf32>,
        %get3A_472 = arith.index_cast %add3A_438 : i32 to index
        %get3A_473 = arith.constant 48 : index
        %get3A_474 = tpu.vector_load %arg7[%get3A_472, %get3A_473] {strides = array<i32>} : memref<200x64xf32, #tpu.memory_space<vmem>>, vector<1x16xf32>,
        %get3A_475 = vector.shape_cast %get3A_474 : vector<1x16xf32> to vector<16xf32>
        %swap3A_476 = arith.constant 0 : i32
        %swap3A_477 = arith.index_cast %swap3A_476 : i32 to index
        %swap3A_478 = arith.index_cast %add3A_438 : i32 to index
        %swap3A_479 = arith.constant 48 : index
        %swap3A_480 = tpu.vector_load %arg8[%swap3A_477, %swap3A_478, %swap3A_479] {strides = array<i32>} : memref<4x200x64xf32, #tpu.memory_space<vmem>>, vector<1x1x16xf32>,
        %swap3A_481 = vector.shape_cast %swap3A_480 : vector<1x1x16xf32> to vector<16xf32>
        %swap3A_482 = vector.shape_cast %get3A_475 : vector<16xf32> to vector<1x1x16xf32>
        tpu.vector_store %arg8[%swap3A_477, %swap3A_478, %swap3A_479], %swap3A_482 {add = true, strides = array<i32>} : memref<4x200x64xf32, #tpu.memory_space<vmem>>, vector<1x1x16xf32>,
        %scan3A_483 = arith.constant 2 : i32
        %scan3A_484 = arith.addi %scan3A_386, %scan3A_483 : i32
        %mul3A_485 = arith.constant 1 : i32
        %mul3A_486 = arith.muli %scan3A_484, %mul3A_485 : i32
        %add3A_487 = arith.constant 0 : i32
        %add3A_488 = arith.addi %add3A_487, %mul3A_486 : i32
        %get3A_489 = arith.index_cast %add3A_488 : i32 to index
        %get3A_490 = arith.constant 0 : index
        %get3A_491 = tpu.vector_load %arg7[%get3A_489, %get3A_490] {strides = array<i32>} : memref<200x64xf32, #tpu.memory_space<vmem>>, vector<1x16xf32>,
        %get3A_492 = vector.shape_cast %get3A_491 : vector<1x16xf32> to vector<16xf32>
        %swap3A_493 = arith.constant 0 : i32
        %swap3A_494 = arith.index_cast %swap3A_493 : i32 to index
        %swap3A_495 = arith.index_cast %add3A_488 : i32 to index
        %swap3A_496 = arith.constant 0 : index
        %swap3A_497 = tpu.vector_load %arg8[%swap3A_494, %swap3A_495, %swap3A_496] {strides = array<i32>} : memref<4x200x64xf32, #tpu.memory_space<vmem>>, vector<1x1x16xf32>,
        %swap3A_498 = vector.shape_cast %swap3A_497 : vector<1x1x16xf32> to vector<16xf32>
        %swap3A_499 = vector.shape_cast %get3A_492 : vector<16xf32> to vector<1x1x16xf32>
        tpu.vector_store %arg8[%swap3A_494, %swap3A_495, %swap3A_496], %swap3A_499 {add = true, strides = array<i32>} : memref<4x200x64xf32, #tpu.memory_space<vmem>>, vector<1x1x16xf32>,
        %get3A_500 = arith.index_cast %add3A_488 : i32 to index
        %get3A_501 = arith.constant 16 : index
        %get3A_502 = tpu.vector_load %arg7[%get3A_500, %get3A_501] {strides = array<i32>} : memref<200x64xf32, #tpu.memory_space<vmem>>, vector<1x16xf32>,
        %get3A_503 = vector.shape_cast %get3A_502 : vector<1x16xf32> to vector<16xf32>
        %swap3A_504 = arith.constant 0 : i32
        %swap3A_505 = arith.index_cast %swap3A_504 : i32 to index
        %swap3A_506 = arith.index_cast %add3A_488 : i32 to index
        %swap3A_507 = arith.constant 16 : index
        %swap3A_508 = tpu.vector_load %arg8[%swap3A_505, %swap3A_506, %swap3A_507] {strides = array<i32>} : memref<4x200x64xf32, #tpu.memory_space<vmem>>, vector<1x1x16xf32>,
        %swap3A_509 = vector.shape_cast %swap3A_508 : vector<1x1x16xf32> to vector<16xf32>
        %swap3A_510 = vector.shape_cast %get3A_503 : vector<16xf32> to vector<1x1x16xf32>
        tpu.vector_store %arg8[%swap3A_505, %swap3A_506, %swap3A_507], %swap3A_510 {add = true, strides = array<i32>} : memref<4x200x64xf32, #tpu.memory_space<vmem>>, vector<1x1x16xf32>,
        %get3A_511 = arith.index_cast %add3A_488 : i32 to index
        %get3A_512 = arith.constant 32 : index
        %get3A_513 = tpu.vector_load %arg7[%get3A_511, %get3A_512] {strides = array<i32>} : memref<200x64xf32, #tpu.memory_space<vmem>>, vector<1x16xf32>,
        %get3A_514 = vector.shape_cast %get3A_513 : vector<1x16xf32> to vector<16xf32>
        %swap3A_515 = arith.constant 0 : i32
        %swap3A_516 = arith.index_cast %swap3A_515 : i32 to index
        %swap3A_517 = arith.index_cast %add3A_488 : i32 to index
        %swap3A_518 = arith.constant 32 : index
        %swap3A_519 = tpu.vector_load %arg8[%swap3A_516, %swap3A_517, %swap3A_518] {strides = array<i32>} : memref<4x200x64xf32, #tpu.memory_space<vmem>>, vector<1x1x16xf32>,
        %swap3A_520 = vector.shape_cast %swap3A_519 : vector<1x1x16xf32> to vector<16xf32>
        %swap3A_521 = vector.shape_cast %get3A_514 : vector<16xf32> to vector<1x1x16xf32>
        tpu.vector_store %arg8[%swap3A_516, %swap3A_517, %swap3A_518], %swap3A_521 {add = true, strides = array<i32>} : memref<4x200x64xf32, #tpu.memory_space<vmem>>, vector<1x1x16xf32>,
        %get3A_522 = arith.index_cast %add3A_488 : i32 to index
        %get3A_523 = arith.constant 48 : index
        %get3A_524 = tpu.vector_load %arg7[%get3A_522, %get3A_523] {strides = array<i32>} : memref<200x64xf32, #tpu.memory_space<vmem>>, vector<1x16xf32>,
        %get3A_525 = vector.shape_cast %get3A_524 : vector<1x16xf32> to vector<16xf32>
        %swap3A_526 = arith.constant 0 : i32
        %swap3A_527 = arith.index_cast %swap3A_526 : i32 to index
        %swap3A_528 = arith.index_cast %add3A_488 : i32 to index
        %swap3A_529 = arith.constant 48 : index
        %swap3A_530 = tpu.vector_load %arg8[%swap3A_527, %swap3A_528, %swap3A_529] {strides = array<i32>} : memref<4x200x64xf32, #tpu.memory_space<vmem>>, vector<1x1x16xf32>,
        %swap3A_531 = vector.shape_cast %swap3A_530 : vector<1x1x16xf32> to vector<16xf32>
        %swap3A_532 = vector.shape_cast %get3A_525 : vector<16xf32> to vector<1x1x16xf32>
        tpu.vector_store %arg8[%swap3A_527, %swap3A_528, %swap3A_529], %swap3A_532 {add = true, strides = array<i32>} : memref<4x200x64xf32, #tpu.memory_space<vmem>>, vector<1x1x16xf32>,
        %scan3A_533 = arith.constant 3 : i32
        %scan3A_534 = arith.addi %scan3A_386, %scan3A_533 : i32
        %mul3A_535 = arith.constant 1 : i32
        %mul3A_536 = arith.muli %scan3A_534, %mul3A_535 : i32
        %add3A_537 = arith.constant 0 : i32
        %add3A_538 = arith.addi %add3A_537, %mul3A_536 : i32
        %get3A_539 = arith.index_cast %add3A_538 : i32 to index
        %get3A_540 = arith.constant 0 : index
        %get3A_541 = tpu.vector_load %arg7[%get3A_539, %get3A_540] {strides = array<i32>} : memref<200x64xf32, #tpu.memory_space<vmem>>, vector<1x16xf32>,
        %get3A_542 = vector.shape_cast %get3A_541 : vector<1x16xf32> to vector<16xf32>
        %swap3A_543 = arith.constant 0 : i32
        %swap3A_544 = arith.index_cast %swap3A_543 : i32 to index
        %swap3A_545 = arith.index_cast %add3A_538 : i32 to index
        %swap3A_546 = arith.constant 0 : index
        %swap3A_547 = tpu.vector_load %arg8[%swap3A_544, %swap3A_545, %swap3A_546] {strides = array<i32>} : memref<4x200x64xf32, #tpu.memory_space<vmem>>, vector<1x1x16xf32>,
        %swap3A_548 = vector.shape_cast %swap3A_547 : vector<1x1x16xf32> to vector<16xf32>
        %swap3A_549 = vector.shape_cast %get3A_542 : vector<16xf32> to vector<1x1x16xf32>
        tpu.vector_store %arg8[%swap3A_544, %swap3A_545, %swap3A_546], %swap3A_549 {add = true, strides = array<i32>} : memref<4x200x64xf32, #tpu.memory_space<vmem>>, vector<1x1x16xf32>,
        %get3A_550 = arith.index_cast %add3A_538 : i32 to index
        %get3A_551 = arith.constant 16 : index
        %get3A_552 = tpu.vector_load %arg7[%get3A_550, %get3A_551] {strides = array<i32>} : memref<200x64xf32, #tpu.memory_space<vmem>>, vector<1x16xf32>,
        %get3A_553 = vector.shape_cast %get3A_552 : vector<1x16xf32> to vector<16xf32>
        %swap3A_554 = arith.constant 0 : i32
        %swap3A_555 = arith.index_cast %swap3A_554 : i32 to index
        %swap3A_556 = arith.index_cast %add3A_538 : i32 to index
        %swap3A_557 = arith.constant 16 : index
        %swap3A_558 = tpu.vector_load %arg8[%swap3A_555, %swap3A_556, %swap3A_557] {strides = array<i32>} : memref<4x200x64xf32, #tpu.memory_space<vmem>>, vector<1x1x16xf32>,
        %swap3A_559 = vector.shape_cast %swap3A_558 : vector<1x1x16xf32> to vector<16xf32>
        %swap3A_560 = vector.shape_cast %get3A_553 : vector<16xf32> to vector<1x1x16xf32>
        tpu.vector_store %arg8[%swap3A_555, %swap3A_556, %swap3A_557], %swap3A_560 {add = true, strides = array<i32>} : memref<4x200x64xf32, #tpu.memory_space<vmem>>, vector<1x1x16xf32>,
        %get3A_561 = arith.index_cast %add3A_538 : i32 to index
        %get3A_562 = arith.constant 32 : index
        %get3A_563 = tpu.vector_load %arg7[%get3A_561, %get3A_562] {strides = array<i32>} : memref<200x64xf32, #tpu.memory_space<vmem>>, vector<1x16xf32>,
        %get3A_564 = vector.shape_cast %get3A_563 : vector<1x16xf32> to vector<16xf32>
        %swap3A_565 = arith.constant 0 : i32
        %swap3A_566 = arith.index_cast %swap3A_565 : i32 to index
        %swap3A_567 = arith.index_cast %add3A_538 : i32 to index
        %swap3A_568 = arith.constant 32 : index
        %swap3A_569 = tpu.vector_load %arg8[%swap3A_566, %swap3A_567, %swap3A_568] {strides = array<i32>} : memref<4x200x64xf32, #tpu.memory_space<vmem>>, vector<1x1x16xf32>,
        %swap3A_570 = vector.shape_cast %swap3A_569 : vector<1x1x16xf32> to vector<16xf32>
        %swap3A_571 = vector.shape_cast %get3A_564 : vector<16xf32> to vector<1x1x16xf32>
        tpu.vector_store %arg8[%swap3A_566, %swap3A_567, %swap3A_568], %swap3A_571 {add = true, strides = array<i32>} : memref<4x200x64xf32, #tpu.memory_space<vmem>>, vector<1x1x16xf32>,
        %get3A_572 = arith.index_cast %add3A_538 : i32 to index
        %get3A_573 = arith.constant 48 : index
        %get3A_574 = tpu.vector_load %arg7[%get3A_572, %get3A_573] {strides = array<i32>} : memref<200x64xf32, #tpu.memory_space<vmem>>, vector<1x16xf32>,
        %get3A_575 = vector.shape_cast %get3A_574 : vector<1x16xf32> to vector<16xf32>
        %swap3A_576 = arith.constant 0 : i32
        %swap3A_577 = arith.index_cast %swap3A_576 : i32 to index
        %swap3A_578 = arith.index_cast %add3A_538 : i32 to index
        %swap3A_579 = arith.constant 48 : index
        %swap3A_580 = tpu.vector_load %arg8[%swap3A_577, %swap3A_578, %swap3A_579] {strides = array<i32>} : memref<4x200x64xf32, #tpu.memory_space<vmem>>, vector<1x1x16xf32>,
        %swap3A_581 = vector.shape_cast %swap3A_580 : vector<1x1x16xf32> to vector<16xf32>
        %swap3A_582 = vector.shape_cast %get3A_575 : vector<16xf32> to vector<1x1x16xf32>
        tpu.vector_store %arg8[%swap3A_577, %swap3A_578, %swap3A_579], %swap3A_582 {add = true, strides = array<i32>} : memref<4x200x64xf32, #tpu.memory_space<vmem>>, vector<1x1x16xf32>,
      }
      %scan3A_152 = arith.constant 200 : i32
      %mul3A_153 = arith.constant 128 : i32
      %mul3A_154 = arith.muli %add3A, %mul3A_153 : i32
      %add3A_155 = arith.addi %mul3A_154, %add3A_111 : i32
      %dma_start3A_156 = arith.constant 0 : i32
      %dma_start3A_157 = arith.constant 0 : i32
      %dma_start3A_158 = arith.constant 0 : i32
      %dma_start3A_159 = arith.constant 0 : i32
      %dma_start3A_160 = tpu.memref_slice %arg8[%dma_start3A_156, %dma_start3A_158, %dma_start3A_159] : memref<4x200x64xf32, #tpu.memory_space<vmem>> -> memref<1x200x64xf32, #tpu.memory_space<vmem>>
      %dma_start3A_161 = tpu.memref_squeeze %dma_start3A_160 : memref<1x200x64xf32, #tpu.memory_space<vmem>> -> memref<200x64xf32, #tpu.memory_space<vmem>>
      %dma_start3A_162 = arith.constant 0 : i32
      %dma_start3A_163 = arith.constant 0 : i32
      %dma_start3A_164 = tpu.memref_slice %arg5[%add3A_155, %dma_start3A_162, %dma_start3A_163] : memref<4096x200x128xf32, #tpu.memory_space<hbm>> -> memref<1x200x64xf32, #tpu.memory_space<hbm>>
      %dma_start3A_165 = tpu.memref_squeeze %dma_start3A_164 : memref<1x200x64xf32, #tpu.memory_space<hbm>> -> memref<200x64xf32, #tpu.memory_space<hbm>>
      %dma_start3A_166 = tpu.memref_slice %arg10[%dma_start3A_157] : memref<4x!tpu.dma_semaphore, #tpu.memory_space<semaphore_mem>> -> memref<1x!tpu.dma_semaphore, #tpu.memory_space<semaphore_mem>>
      %dma_start3A_167 = tpu.memref_squeeze %dma_start3A_166 : memref<1x!tpu.dma_semaphore, #tpu.memory_space<semaphore_mem>> -> memref<!tpu.dma_semaphore, #tpu.memory_space<semaphore_mem>>
      %dma_start3A_168 = arith.constant 0 : i32
      %dma_start3A_169 = arith.constant 0 : i32
      %dma_start3A_170 = tpu.memref_slice %arg5[%add3A_155, %dma_start3A_168, %dma_start3A_169] : memref<4096x200x128xf32, #tpu.memory_space<hbm>> -> memref<1x200x64xf32, #tpu.memory_space<hbm>>
      %dma_start3A_171 = tpu.memref_squeeze %dma_start3A_170 : memref<1x200x64xf32, #tpu.memory_space<hbm>> -> memref<200x64xf32, #tpu.memory_space<hbm>>
      %dma_start3A_172 = arith.constant 0 : i32
      %dma_start3A_173 = arith.constant 0 : i32
      %dma_start3A_174 = tpu.memref_slice %arg8[%dma_start3A_156, %dma_start3A_172, %dma_start3A_173] : memref<4x200x64xf32, #tpu.memory_space<vmem>> -> memref<1x200x64xf32, #tpu.memory_space<vmem>>
      %dma_start3A_175 = tpu.memref_squeeze %dma_start3A_174 : memref<1x200x64xf32, #tpu.memory_space<vmem>> -> memref<200x64xf32, #tpu.memory_space<vmem>>
      tpu.enqueue_dma source(%dma_start3A_175 : memref<200x64xf32, #tpu.memory_space<vmem>>) target(%dma_start3A_171 : memref<200x64xf32, #tpu.memory_space<hbm>>) target_semaphore(%dma_start3A_167 : memref<!tpu.dma_semaphore, #tpu.memory_space<semaphore_mem>>)
      %add3A_176 = arith.constant 1 : i32
      %add3A_177 = arith.addi %add3A_109, %add3A_176 : i32
      %ge3A_178 = arith.constant 2 : i32
      %ge3A_179 = arith.cmpi sge, %add3A_177, %ge3A_178 : i32
      %convert_element_type3A_180 = arith.extui %ge3A_179 : i1 to i32
      %cond3A_181 = arith.constant 0 : i32
      %cond3A_182 = arith.cmpi ne, %convert_element_type3A_180, %cond3A_181 : i32
      scf.if %cond3A_182 {
        %sub3A = arith.constant 2 : i32
        %sub3A_386 = arith.subi %add3A_177, %sub3A : i32
        %mul3A_387 = arith.constant 128 : i32
        %mul3A_388 = arith.muli %add3A, %mul3A_387 : i32
        %add3A_389 = arith.addi %mul3A_388, %sub3A_386 : i32
        %dma_wait3A_390 = arith.constant 3 : i32
        %dma_wait3A_391 = arith.constant 3 : i32
        %dma_wait3A_392 = arith.constant 0 : i32
        %dma_wait3A_393 = arith.constant 0 : i32
        %dma_wait3A_394 = tpu.memref_slice %arg8[%dma_wait3A_390, %dma_wait3A_392, %dma_wait3A_393] : memref<4x200x64xf32, #tpu.memory_space<vmem>> -> memref<1x200x64xf32, #tpu.memory_space<vmem>>
        %dma_wait3A_395 = tpu.memref_squeeze %dma_wait3A_394 : memref<1x200x64xf32, #tpu.memory_space<vmem>> -> memref<200x64xf32, #tpu.memory_space<vmem>>
        %dma_wait3A_396 = arith.constant 0 : i32
        %dma_wait3A_397 = arith.constant 0 : i32
        %dma_wait3A_398 = tpu.memref_slice %arg5[%add3A_389, %dma_wait3A_396, %dma_wait3A_397] : memref<4096x200x128xf32, #tpu.memory_space<hbm>> -> memref<1x200x64xf32, #tpu.memory_space<hbm>>
        %dma_wait3A_399 = tpu.memref_squeeze %dma_wait3A_398 : memref<1x200x64xf32, #tpu.memory_space<hbm>> -> memref<200x64xf32, #tpu.memory_space<hbm>>
        %dma_wait3A_400 = tpu.memref_slice %arg10[%dma_wait3A_391] : memref<4x!tpu.dma_semaphore, #tpu.memory_space<semaphore_mem>> -> memref<1x!tpu.dma_semaphore, #tpu.memory_space<semaphore_mem>>
        %dma_wait3A_401 = tpu.memref_squeeze %dma_wait3A_400 : memref<1x!tpu.dma_semaphore, #tpu.memory_space<semaphore_mem>> -> memref<!tpu.dma_semaphore, #tpu.memory_space<semaphore_mem>>
        %dma_wait3A_402 = arith.constant 0 : i32
        %dma_wait3A_403 = arith.constant 0 : i32
        %dma_wait3A_404 = tpu.memref_slice %arg5[%add3A_389, %dma_wait3A_402, %dma_wait3A_403] : memref<4096x200x128xf32, #tpu.memory_space<hbm>> -> memref<1x200x64xf32, #tpu.memory_space<hbm>>
        %dma_wait3A_405 = tpu.memref_squeeze %dma_wait3A_404 : memref<1x200x64xf32, #tpu.memory_space<hbm>> -> memref<200x64xf32, #tpu.memory_space<hbm>>
        %dma_wait3A_406 = arith.constant 0 : i32
        %dma_wait3A_407 = arith.constant 0 : i32
        %dma_wait3A_408 = tpu.memref_slice %arg8[%dma_wait3A_390, %dma_wait3A_406, %dma_wait3A_407] : memref<4x200x64xf32, #tpu.memory_space<vmem>> -> memref<1x200x64xf32, #tpu.memory_space<vmem>>
        %dma_wait3A_409 = tpu.memref_squeeze %dma_wait3A_408 : memref<1x200x64xf32, #tpu.memory_space<vmem>> -> memref<200x64xf32, #tpu.memory_space<vmem>>
        tpu.wait_dma2 semaphore(%dma_wait3A_401 : memref<!tpu.dma_semaphore, #tpu.memory_space<semaphore_mem>>) src(%dma_wait3A_409 : memref<200x64xf32, #tpu.memory_space<vmem>>) dst(%dma_wait3A_405 : memref<200x64xf32, #tpu.memory_space<hbm>>)
      } else {
      }
      %add3A_183 = arith.constant 2 : i32
      %add3A_184 = arith.addi %add3A_177, %add3A_183 : i32
      %lt3A_185 = arith.constant 128 : i32
      %lt3A_186 = arith.cmpi slt, %add3A_184, %lt3A_185 : i32
      %convert_element_type3A_187 = arith.extui %lt3A_186 : i1 to i32
      %cond3A_188 = arith.constant 0 : i32
      %cond3A_189 = arith.cmpi ne, %convert_element_type3A_187, %cond3A_188 : i32
      scf.if %cond3A_189 {
        %add3A_386 = arith.constant 2 : i32
        %add3A_387 = arith.addi %add3A_177, %add3A_386 : i32
        %mul3A_388 = arith.constant 200 : i32
        %mul3A_389 = arith.muli %add3A_387, %mul3A_388 : i32
        %dma_start3A_390 = arith.constant 3 : i32
        %dma_start3A_391 = arith.constant 3 : i32
        %dma_start3A_392 = arith.constant 0 : i32
        %dma_start3A_393 = arith.constant 0 : i32
        %dma_start3A_394 = tpu.memref_slice %arg8[%dma_start3A_390, %dma_start3A_392, %dma_start3A_393] : memref<4x200x64xf32, #tpu.memory_space<vmem>> -> memref<1x104x64xf32, #tpu.memory_space<vmem>>
        %dma_start3A_395 = tpu.memref_squeeze %dma_start3A_394 : memref<1x104x64xf32, #tpu.memory_space<vmem>> -> memref<104x64xf32, #tpu.memory_space<vmem>>
        %dma_start3A_396 = tpu.memref_slice %arg6[%mul3A_389] : memref<25600xi32, #tpu.memory_space<vmem>> -> memref<104xi32, #tpu.memory_space<vmem>>
        %dma_start3A_397 = arith.constant 0 : i32
        %dma_start3A_398 = arith.constant 0 : i32
        %dma_start3A_399 = tpu.memref_slice %arg3[%dma_start3A_397, %dma_start3A_398] : memref<2000000x64xf32, #tpu.memory_space<hbm>> -> memref<2000000x64xf32, #tpu.memory_space<hbm>>
        %dma_start3A_400 = tpu.memref_slice %arg9[%dma_start3A_391] : memref<4x!tpu.dma_semaphore, #tpu.memory_space<semaphore_mem>> -> memref<1x!tpu.dma_semaphore, #tpu.memory_space<semaphore_mem>>
        %dma_start3A_401 = tpu.memref_squeeze %dma_start3A_400 : memref<1x!tpu.dma_semaphore, #tpu.memory_space<semaphore_mem>> -> memref<!tpu.dma_semaphore, #tpu.memory_space<semaphore_mem>>
        tpu.enqueue_indirect_dma source(%dma_start3A_399 : memref<2000000x64xf32, #tpu.memory_space<hbm>>) target(%dma_start3A_395 : memref<104x64xf32, #tpu.memory_space<vmem>>) offsets(%dma_start3A_396 : memref<104xi32, #tpu.memory_space<vmem>>) semaphore(%dma_start3A_401 : memref<!tpu.dma_semaphore, #tpu.memory_space<semaphore_mem>>)
        %add3A_402 = arith.constant 104 : i32
        %add3A_403 = arith.addi %mul3A_389, %add3A_402 : i32
        %dma_start3A_404 = arith.constant 3 : i32
        %dma_start3A_405 = arith.constant 3 : i32
        %dma_start3A_406 = arith.constant 104 : i32
        %dma_start3A_407 = arith.constant 0 : i32
        %dma_start3A_408 = tpu.memref_slice %arg8[%dma_start3A_404, %dma_start3A_406, %dma_start3A_407] : memref<4x200x64xf32, #tpu.memory_space<vmem>> -> memref<1x96x64xf32, #tpu.memory_space<vmem>>
        %dma_start3A_409 = tpu.memref_squeeze %dma_start3A_408 : memref<1x96x64xf32, #tpu.memory_space<vmem>> -> memref<96x64xf32, #tpu.memory_space<vmem>>
        %dma_start3A_410 = tpu.memref_slice %arg6[%add3A_403] : memref<25600xi32, #tpu.memory_space<vmem>> -> memref<96xi32, #tpu.memory_space<vmem>>
        %dma_start3A_411 = arith.constant 0 : i32
        %dma_start3A_412 = arith.constant 0 : i32
        %dma_start3A_413 = tpu.memref_slice %arg3[%dma_start3A_411, %dma_start3A_412] : memref<2000000x64xf32, #tpu.memory_space<hbm>> -> memref<2000000x64xf32, #tpu.memory_space<hbm>>
        %dma_start3A_414 = tpu.memref_slice %arg9[%dma_start3A_405] : memref<4x!tpu.dma_semaphore, #tpu.memory_space<semaphore_mem>> -> memref<1x!tpu.dma_semaphore, #tpu.memory_space<semaphore_mem>>
        %dma_start3A_415 = tpu.memref_squeeze %dma_start3A_414 : memref<1x!tpu.dma_semaphore, #tpu.memory_space<semaphore_mem>> -> memref<!tpu.dma_semaphore, #tpu.memory_space<semaphore_mem>>
        tpu.enqueue_indirect_dma source(%dma_start3A_413 : memref<2000000x64xf32, #tpu.memory_space<hbm>>) target(%dma_start3A_409 : memref<96x64xf32, #tpu.memory_space<vmem>>) offsets(%dma_start3A_410 : memref<96xi32, #tpu.memory_space<vmem>>) semaphore(%dma_start3A_415 : memref<!tpu.dma_semaphore, #tpu.memory_space<semaphore_mem>>)
      } else {
      }
      %mul3A_190 = arith.constant 200 : i32
      %mul3A_191 = arith.muli %add3A_177, %mul3A_190 : i32
      %dma_wait3A_192 = arith.constant 1 : i32
      %dma_wait3A_193 = arith.constant 1 : i32
      %dma_wait3A_194 = arith.constant 0 : i32
      %dma_wait3A_195 = arith.constant 0 : i32
      %dma_wait3A_196 = tpu.memref_slice %arg8[%dma_wait3A_192, %dma_wait3A_194, %dma_wait3A_195] : memref<4x200x64xf32, #tpu.memory_space<vmem>> -> memref<1x104x64xf32, #tpu.memory_space<vmem>>
      %dma_wait3A_197 = tpu.memref_squeeze %dma_wait3A_196 : memref<1x104x64xf32, #tpu.memory_space<vmem>> -> memref<104x64xf32, #tpu.memory_space<vmem>>
      %dma_wait3A_198 = tpu.memref_slice %arg6[%mul3A_191] : memref<25600xi32, #tpu.memory_space<vmem>> -> memref<104xi32, #tpu.memory_space<vmem>>
      %dma_wait3A_199 = arith.constant 0 : i32
      %dma_wait3A_200 = arith.constant 0 : i32
      %dma_wait3A_201 = tpu.memref_slice %arg3[%dma_wait3A_199, %dma_wait3A_200] : memref<2000000x64xf32, #tpu.memory_space<hbm>> -> memref<2000000x64xf32, #tpu.memory_space<hbm>>
      %dma_wait3A_202 = tpu.memref_slice %arg9[%dma_wait3A_193] : memref<4x!tpu.dma_semaphore, #tpu.memory_space<semaphore_mem>> -> memref<1x!tpu.dma_semaphore, #tpu.memory_space<semaphore_mem>>
      %dma_wait3A_203 = tpu.memref_squeeze %dma_wait3A_202 : memref<1x!tpu.dma_semaphore, #tpu.memory_space<semaphore_mem>> -> memref<!tpu.dma_semaphore, #tpu.memory_space<semaphore_mem>>
      tpu.wait_indirect_dma semaphore(%dma_wait3A_203 : memref<!tpu.dma_semaphore, #tpu.memory_space<semaphore_mem>>) src(%dma_wait3A_201 : memref<2000000x64xf32, #tpu.memory_space<hbm>>) dst(%dma_wait3A_197 : memref<104x64xf32, #tpu.memory_space<vmem>>)
      %add3A_204 = arith.constant 104 : i32
      %add3A_205 = arith.addi %mul3A_191, %add3A_204 : i32
      %dma_wait3A_206 = arith.constant 1 : i32
      %dma_wait3A_207 = arith.constant 1 : i32
      %dma_wait3A_208 = arith.constant 104 : i32
      %dma_wait3A_209 = arith.constant 0 : i32
      %dma_wait3A_210 = tpu.memref_slice %arg8[%dma_wait3A_206, %dma_wait3A_208, %dma_wait3A_209] : memref<4x200x64xf32, #tpu.memory_space<vmem>> -> memref<1x96x64xf32, #tpu.memory_space<vmem>>
      %dma_wait3A_211 = tpu.memref_squeeze %dma_wait3A_210 : memref<1x96x64xf32, #tpu.memory_space<vmem>> -> memref<96x64xf32, #tpu.memory_space<vmem>>
      %dma_wait3A_212 = tpu.memref_slice %arg6[%add3A_205] : memref<25600xi32, #tpu.memory_space<vmem>> -> memref<96xi32, #tpu.memory_space<vmem>>
      %dma_wait3A_213 = arith.constant 0 : i32
      %dma_wait3A_214 = arith.constant 0 : i32
      %dma_wait3A_215 = tpu.memref_slice %arg3[%dma_wait3A_213, %dma_wait3A_214] : memref<2000000x64xf32, #tpu.memory_space<hbm>> -> memref<2000000x64xf32, #tpu.memory_space<hbm>>
      %dma_wait3A_216 = tpu.memref_slice %arg9[%dma_wait3A_207] : memref<4x!tpu.dma_semaphore, #tpu.memory_space<semaphore_mem>> -> memref<1x!tpu.dma_semaphore, #tpu.memory_space<semaphore_mem>>
      %dma_wait3A_217 = tpu.memref_squeeze %dma_wait3A_216 : memref<1x!tpu.dma_semaphore, #tpu.memory_space<semaphore_mem>> -> memref<!tpu.dma_semaphore, #tpu.memory_space<semaphore_mem>>
      tpu.wait_indirect_dma semaphore(%dma_wait3A_217 : memref<!tpu.dma_semaphore, #tpu.memory_space<semaphore_mem>>) src(%dma_wait3A_215 : memref<2000000x64xf32, #tpu.memory_space<hbm>>) dst(%dma_wait3A_211 : memref<96x64xf32, #tpu.memory_space<vmem>>)
      %scan3A_218 = arith.constant 0 : i32
      %scan3A_219 = arith.constant 200 : i32
      %scan3A_220 = arith.addi %scan3A_218, %scan3A_219 : i32
      %scan3A_221 = arith.constant 4 : i32
      scf.for %scan3A_386 = %scan3A_218 to %scan3A_220 step %scan3A_221  : i32 {
        %mul3A_387 = arith.constant 1 : i32
        %mul3A_388 = arith.muli %scan3A_386, %mul3A_387 : i32
        %add3A_389 = arith.constant 0 : i32
        %add3A_390 = arith.addi %add3A_389, %mul3A_388 : i32
        %get3A = arith.index_cast %add3A_390 : i32 to index
        %get3A_391 = arith.constant 0 : index
        %get3A_392 = tpu.vector_load %arg7[%get3A, %get3A_391] {strides = array<i32>} : memref<200x64xf32, #tpu.memory_space<vmem>>, vector<1x16xf32>,
        %get3A_393 = vector.shape_cast %get3A_392 : vector<1x16xf32> to vector<16xf32>
        %swap3A = arith.constant 1 : i32
        %swap3A_394 = arith.index_cast %swap3A : i32 to index
        %swap3A_395 = arith.index_cast %add3A_390 : i32 to index
        %swap3A_396 = arith.constant 0 : index
        %swap3A_397 = tpu.vector_load %arg8[%swap3A_394, %swap3A_395, %swap3A_396] {strides = array<i32>} : memref<4x200x64xf32, #tpu.memory_space<vmem>>, vector<1x1x16xf32>,
        %swap3A_398 = vector.shape_cast %swap3A_397 : vector<1x1x16xf32> to vector<16xf32>
        %swap3A_399 = vector.shape_cast %get3A_393 : vector<16xf32> to vector<1x1x16xf32>
        tpu.vector_store %arg8[%swap3A_394, %swap3A_395, %swap3A_396], %swap3A_399 {add = true, strides = array<i32>} : memref<4x200x64xf32, #tpu.memory_space<vmem>>, vector<1x1x16xf32>,
        %get3A_400 = arith.index_cast %add3A_390 : i32 to index
        %get3A_401 = arith.constant 16 : index
        %get3A_402 = tpu.vector_load %arg7[%get3A_400, %get3A_401] {strides = array<i32>} : memref<200x64xf32, #tpu.memory_space<vmem>>, vector<1x16xf32>,
        %get3A_403 = vector.shape_cast %get3A_402 : vector<1x16xf32> to vector<16xf32>
        %swap3A_404 = arith.constant 1 : i32
        %swap3A_405 = arith.index_cast %swap3A_404 : i32 to index
        %swap3A_406 = arith.index_cast %add3A_390 : i32 to index
        %swap3A_407 = arith.constant 16 : index
        %swap3A_408 = tpu.vector_load %arg8[%swap3A_405, %swap3A_406, %swap3A_407] {strides = array<i32>} : memref<4x200x64xf32, #tpu.memory_space<vmem>>, vector<1x1x16xf32>,
        %swap3A_409 = vector.shape_cast %swap3A_408 : vector<1x1x16xf32> to vector<16xf32>
        %swap3A_410 = vector.shape_cast %get3A_403 : vector<16xf32> to vector<1x1x16xf32>
        tpu.vector_store %arg8[%swap3A_405, %swap3A_406, %swap3A_407], %swap3A_410 {add = true, strides = array<i32>} : memref<4x200x64xf32, #tpu.memory_space<vmem>>, vector<1x1x16xf32>,
        %get3A_411 = arith.index_cast %add3A_390 : i32 to index
        %get3A_412 = arith.constant 32 : index
        %get3A_413 = tpu.vector_load %arg7[%get3A_411, %get3A_412] {strides = array<i32>} : memref<200x64xf32, #tpu.memory_space<vmem>>, vector<1x16xf32>,
        %get3A_414 = vector.shape_cast %get3A_413 : vector<1x16xf32> to vector<16xf32>
        %swap3A_415 = arith.constant 1 : i32
        %swap3A_416 = arith.index_cast %swap3A_415 : i32 to index
        %swap3A_417 = arith.index_cast %add3A_390 : i32 to index
        %swap3A_418 = arith.constant 32 : index
        %swap3A_419 = tpu.vector_load %arg8[%swap3A_416, %swap3A_417, %swap3A_418] {strides = array<i32>} : memref<4x200x64xf32, #tpu.memory_space<vmem>>, vector<1x1x16xf32>,
        %swap3A_420 = vector.shape_cast %swap3A_419 : vector<1x1x16xf32> to vector<16xf32>
        %swap3A_421 = vector.shape_cast %get3A_414 : vector<16xf32> to vector<1x1x16xf32>
        tpu.vector_store %arg8[%swap3A_416, %swap3A_417, %swap3A_418], %swap3A_421 {add = true, strides = array<i32>} : memref<4x200x64xf32, #tpu.memory_space<vmem>>, vector<1x1x16xf32>,
        %get3A_422 = arith.index_cast %add3A_390 : i32 to index
        %get3A_423 = arith.constant 48 : index
        %get3A_424 = tpu.vector_load %arg7[%get3A_422, %get3A_423] {strides = array<i32>} : memref<200x64xf32, #tpu.memory_space<vmem>>, vector<1x16xf32>,
        %get3A_425 = vector.shape_cast %get3A_424 : vector<1x16xf32> to vector<16xf32>
        %swap3A_426 = arith.constant 1 : i32
        %swap3A_427 = arith.index_cast %swap3A_426 : i32 to index
        %swap3A_428 = arith.index_cast %add3A_390 : i32 to index
        %swap3A_429 = arith.constant 48 : index
        %swap3A_430 = tpu.vector_load %arg8[%swap3A_427, %swap3A_428, %swap3A_429] {strides = array<i32>} : memref<4x200x64xf32, #tpu.memory_space<vmem>>, vector<1x1x16xf32>,
        %swap3A_431 = vector.shape_cast %swap3A_430 : vector<1x1x16xf32> to vector<16xf32>
        %swap3A_432 = vector.shape_cast %get3A_425 : vector<16xf32> to vector<1x1x16xf32>
        tpu.vector_store %arg8[%swap3A_427, %swap3A_428, %swap3A_429], %swap3A_432 {add = true, strides = array<i32>} : memref<4x200x64xf32, #tpu.memory_space<vmem>>, vector<1x1x16xf32>,
        %scan3A_433 = arith.constant 1 : i32
        %scan3A_434 = arith.addi %scan3A_386, %scan3A_433 : i32
        %mul3A_435 = arith.constant 1 : i32
        %mul3A_436 = arith.muli %scan3A_434, %mul3A_435 : i32
        %add3A_437 = arith.constant 0 : i32
        %add3A_438 = arith.addi %add3A_437, %mul3A_436 : i32
        %get3A_439 = arith.index_cast %add3A_438 : i32 to index
        %get3A_440 = arith.constant 0 : index
        %get3A_441 = tpu.vector_load %arg7[%get3A_439, %get3A_440] {strides = array<i32>} : memref<200x64xf32, #tpu.memory_space<vmem>>, vector<1x16xf32>,
        %get3A_442 = vector.shape_cast %get3A_441 : vector<1x16xf32> to vector<16xf32>
        %swap3A_443 = arith.constant 1 : i32
        %swap3A_444 = arith.index_cast %swap3A_443 : i32 to index
        %swap3A_445 = arith.index_cast %add3A_438 : i32 to index
        %swap3A_446 = arith.constant 0 : index
        %swap3A_447 = tpu.vector_load %arg8[%swap3A_444, %swap3A_445, %swap3A_446] {strides = array<i32>} : memref<4x200x64xf32, #tpu.memory_space<vmem>>, vector<1x1x16xf32>,
        %swap3A_448 = vector.shape_cast %swap3A_447 : vector<1x1x16xf32> to vector<16xf32>
        %swap3A_449 = vector.shape_cast %get3A_442 : vector<16xf32> to vector<1x1x16xf32>
        tpu.vector_store %arg8[%swap3A_444, %swap3A_445, %swap3A_446], %swap3A_449 {add = true, strides = array<i32>} : memref<4x200x64xf32, #tpu.memory_space<vmem>>, vector<1x1x16xf32>,
        %get3A_450 = arith.index_cast %add3A_438 : i32 to index
        %get3A_451 = arith.constant 16 : index
        %get3A_452 = tpu.vector_load %arg7[%get3A_450, %get3A_451] {strides = array<i32>} : memref<200x64xf32, #tpu.memory_space<vmem>>, vector<1x16xf32>,
        %get3A_453 = vector.shape_cast %get3A_452 : vector<1x16xf32> to vector<16xf32>
        %swap3A_454 = arith.constant 1 : i32
        %swap3A_455 = arith.index_cast %swap3A_454 : i32 to index
        %swap3A_456 = arith.index_cast %add3A_438 : i32 to index
        %swap3A_457 = arith.constant 16 : index
        %swap3A_458 = tpu.vector_load %arg8[%swap3A_455, %swap3A_456, %swap3A_457] {strides = array<i32>} : memref<4x200x64xf32, #tpu.memory_space<vmem>>, vector<1x1x16xf32>,
        %swap3A_459 = vector.shape_cast %swap3A_458 : vector<1x1x16xf32> to vector<16xf32>
        %swap3A_460 = vector.shape_cast %get3A_453 : vector<16xf32> to vector<1x1x16xf32>
        tpu.vector_store %arg8[%swap3A_455, %swap3A_456, %swap3A_457], %swap3A_460 {add = true, strides = array<i32>} : memref<4x200x64xf32, #tpu.memory_space<vmem>>, vector<1x1x16xf32>,
        %get3A_461 = arith.index_cast %add3A_438 : i32 to index
        %get3A_462 = arith.constant 32 : index
        %get3A_463 = tpu.vector_load %arg7[%get3A_461, %get3A_462] {strides = array<i32>} : memref<200x64xf32, #tpu.memory_space<vmem>>, vector<1x16xf32>,
        %get3A_464 = vector.shape_cast %get3A_463 : vector<1x16xf32> to vector<16xf32>
        %swap3A_465 = arith.constant 1 : i32
        %swap3A_466 = arith.index_cast %swap3A_465 : i32 to index
        %swap3A_467 = arith.index_cast %add3A_438 : i32 to index
        %swap3A_468 = arith.constant 32 : index
        %swap3A_469 = tpu.vector_load %arg8[%swap3A_466, %swap3A_467, %swap3A_468] {strides = array<i32>} : memref<4x200x64xf32, #tpu.memory_space<vmem>>, vector<1x1x16xf32>,
        %swap3A_470 = vector.shape_cast %swap3A_469 : vector<1x1x16xf32> to vector<16xf32>
        %swap3A_471 = vector.shape_cast %get3A_464 : vector<16xf32> to vector<1x1x16xf32>
        tpu.vector_store %arg8[%swap3A_466, %swap3A_467, %swap3A_468], %swap3A_471 {add = true, strides = array<i32>} : memref<4x200x64xf32, #tpu.memory_space<vmem>>, vector<1x1x16xf32>,
        %get3A_472 = arith.index_cast %add3A_438 : i32 to index
        %get3A_473 = arith.constant 48 : index
        %get3A_474 = tpu.vector_load %arg7[%get3A_472, %get3A_473] {strides = array<i32>} : memref<200x64xf32, #tpu.memory_space<vmem>>, vector<1x16xf32>,
        %get3A_475 = vector.shape_cast %get3A_474 : vector<1x16xf32> to vector<16xf32>
        %swap3A_476 = arith.constant 1 : i32
        %swap3A_477 = arith.index_cast %swap3A_476 : i32 to index
        %swap3A_478 = arith.index_cast %add3A_438 : i32 to index
        %swap3A_479 = arith.constant 48 : index
        %swap3A_480 = tpu.vector_load %arg8[%swap3A_477, %swap3A_478, %swap3A_479] {strides = array<i32>} : memref<4x200x64xf32, #tpu.memory_space<vmem>>, vector<1x1x16xf32>,
        %swap3A_481 = vector.shape_cast %swap3A_480 : vector<1x1x16xf32> to vector<16xf32>
        %swap3A_482 = vector.shape_cast %get3A_475 : vector<16xf32> to vector<1x1x16xf32>
        tpu.vector_store %arg8[%swap3A_477, %swap3A_478, %swap3A_479], %swap3A_482 {add = true, strides = array<i32>} : memref<4x200x64xf32, #tpu.memory_space<vmem>>, vector<1x1x16xf32>,
        %scan3A_483 = arith.constant 2 : i32
        %scan3A_484 = arith.addi %scan3A_386, %scan3A_483 : i32
        %mul3A_485 = arith.constant 1 : i32
        %mul3A_486 = arith.muli %scan3A_484, %mul3A_485 : i32
        %add3A_487 = arith.constant 0 : i32
        %add3A_488 = arith.addi %add3A_487, %mul3A_486 : i32
        %get3A_489 = arith.index_cast %add3A_488 : i32 to index
        %get3A_490 = arith.constant 0 : index
        %get3A_491 = tpu.vector_load %arg7[%get3A_489, %get3A_490] {strides = array<i32>} : memref<200x64xf32, #tpu.memory_space<vmem>>, vector<1x16xf32>,
        %get3A_492 = vector.shape_cast %get3A_491 : vector<1x16xf32> to vector<16xf32>
        %swap3A_493 = arith.constant 1 : i32
        %swap3A_494 = arith.index_cast %swap3A_493 : i32 to index
        %swap3A_495 = arith.index_cast %add3A_488 : i32 to index
        %swap3A_496 = arith.constant 0 : index
        %swap3A_497 = tpu.vector_load %arg8[%swap3A_494, %swap3A_495, %swap3A_496] {strides = array<i32>} : memref<4x200x64xf32, #tpu.memory_space<vmem>>, vector<1x1x16xf32>,
        %swap3A_498 = vector.shape_cast %swap3A_497 : vector<1x1x16xf32> to vector<16xf32>
        %swap3A_499 = vector.shape_cast %get3A_492 : vector<16xf32> to vector<1x1x16xf32>
        tpu.vector_store %arg8[%swap3A_494, %swap3A_495, %swap3A_496], %swap3A_499 {add = true, strides = array<i32>} : memref<4x200x64xf32, #tpu.memory_space<vmem>>, vector<1x1x16xf32>,
        %get3A_500 = arith.index_cast %add3A_488 : i32 to index
        %get3A_501 = arith.constant 16 : index
        %get3A_502 = tpu.vector_load %arg7[%get3A_500, %get3A_501] {strides = array<i32>} : memref<200x64xf32, #tpu.memory_space<vmem>>, vector<1x16xf32>,
        %get3A_503 = vector.shape_cast %get3A_502 : vector<1x16xf32> to vector<16xf32>
        %swap3A_504 = arith.constant 1 : i32
        %swap3A_505 = arith.index_cast %swap3A_504 : i32 to index
        %swap3A_506 = arith.index_cast %add3A_488 : i32 to index
        %swap3A_507 = arith.constant 16 : index
        %swap3A_508 = tpu.vector_load %arg8[%swap3A_505, %swap3A_506, %swap3A_507] {strides = array<i32>} : memref<4x200x64xf32, #tpu.memory_space<vmem>>, vector<1x1x16xf32>,
        %swap3A_509 = vector.shape_cast %swap3A_508 : vector<1x1x16xf32> to vector<16xf32>
        %swap3A_510 = vector.shape_cast %get3A_503 : vector<16xf32> to vector<1x1x16xf32>
        tpu.vector_store %arg8[%swap3A_505, %swap3A_506, %swap3A_507], %swap3A_510 {add = true, strides = array<i32>} : memref<4x200x64xf32, #tpu.memory_space<vmem>>, vector<1x1x16xf32>,
        %get3A_511 = arith.index_cast %add3A_488 : i32 to index
        %get3A_512 = arith.constant 32 : index
        %get3A_513 = tpu.vector_load %arg7[%get3A_511, %get3A_512] {strides = array<i32>} : memref<200x64xf32, #tpu.memory_space<vmem>>, vector<1x16xf32>,
        %get3A_514 = vector.shape_cast %get3A_513 : vector<1x16xf32> to vector<16xf32>
        %swap3A_515 = arith.constant 1 : i32
        %swap3A_516 = arith.index_cast %swap3A_515 : i32 to index
        %swap3A_517 = arith.index_cast %add3A_488 : i32 to index
        %swap3A_518 = arith.constant 32 : index
        %swap3A_519 = tpu.vector_load %arg8[%swap3A_516, %swap3A_517, %swap3A_518] {strides = array<i32>} : memref<4x200x64xf32, #tpu.memory_space<vmem>>, vector<1x1x16xf32>,
        %swap3A_520 = vector.shape_cast %swap3A_519 : vector<1x1x16xf32> to vector<16xf32>
        %swap3A_521 = vector.shape_cast %get3A_514 : vector<16xf32> to vector<1x1x16xf32>
        tpu.vector_store %arg8[%swap3A_516, %swap3A_517, %swap3A_518], %swap3A_521 {add = true, strides = array<i32>} : memref<4x200x64xf32, #tpu.memory_space<vmem>>, vector<1x1x16xf32>,
        %get3A_522 = arith.index_cast %add3A_488 : i32 to index
        %get3A_523 = arith.constant 48 : index
        %get3A_524 = tpu.vector_load %arg7[%get3A_522, %get3A_523] {strides = array<i32>} : memref<200x64xf32, #tpu.memory_space<vmem>>, vector<1x16xf32>,
        %get3A_525 = vector.shape_cast %get3A_524 : vector<1x16xf32> to vector<16xf32>
        %swap3A_526 = arith.constant 1 : i32
        %swap3A_527 = arith.index_cast %swap3A_526 : i32 to index
        %swap3A_528 = arith.index_cast %add3A_488 : i32 to index
        %swap3A_529 = arith.constant 48 : index
        %swap3A_530 = tpu.vector_load %arg8[%swap3A_527, %swap3A_528, %swap3A_529] {strides = array<i32>} : memref<4x200x64xf32, #tpu.memory_space<vmem>>, vector<1x1x16xf32>,
        %swap3A_531 = vector.shape_cast %swap3A_530 : vector<1x1x16xf32> to vector<16xf32>
        %swap3A_532 = vector.shape_cast %get3A_525 : vector<16xf32> to vector<1x1x16xf32>
        tpu.vector_store %arg8[%swap3A_527, %swap3A_528, %swap3A_529], %swap3A_532 {add = true, strides = array<i32>} : memref<4x200x64xf32, #tpu.memory_space<vmem>>, vector<1x1x16xf32>,
        %scan3A_533 = arith.constant 3 : i32
        %scan3A_534 = arith.addi %scan3A_386, %scan3A_533 : i32
        %mul3A_535 = arith.constant 1 : i32
        %mul3A_536 = arith.muli %scan3A_534, %mul3A_535 : i32
        %add3A_537 = arith.constant 0 : i32
        %add3A_538 = arith.addi %add3A_537, %mul3A_536 : i32
        %get3A_539 = arith.index_cast %add3A_538 : i32 to index
        %get3A_540 = arith.constant 0 : index
        %get3A_541 = tpu.vector_load %arg7[%get3A_539, %get3A_540] {strides = array<i32>} : memref<200x64xf32, #tpu.memory_space<vmem>>, vector<1x16xf32>,
        %get3A_542 = vector.shape_cast %get3A_541 : vector<1x16xf32> to vector<16xf32>
        %swap3A_543 = arith.constant 1 : i32
        %swap3A_544 = arith.index_cast %swap3A_543 : i32 to index
        %swap3A_545 = arith.index_cast %add3A_538 : i32 to index
        %swap3A_546 = arith.constant 0 : index
        %swap3A_547 = tpu.vector_load %arg8[%swap3A_544, %swap3A_545, %swap3A_546] {strides = array<i32>} : memref<4x200x64xf32, #tpu.memory_space<vmem>>, vector<1x1x16xf32>,
        %swap3A_548 = vector.shape_cast %swap3A_547 : vector<1x1x16xf32> to vector<16xf32>
        %swap3A_549 = vector.shape_cast %get3A_542 : vector<16xf32> to vector<1x1x16xf32>
        tpu.vector_store %arg8[%swap3A_544, %swap3A_545, %swap3A_546], %swap3A_549 {add = true, strides = array<i32>} : memref<4x200x64xf32, #tpu.memory_space<vmem>>, vector<1x1x16xf32>,
        %get3A_550 = arith.index_cast %add3A_538 : i32 to index
        %get3A_551 = arith.constant 16 : index
        %get3A_552 = tpu.vector_load %arg7[%get3A_550, %get3A_551] {strides = array<i32>} : memref<200x64xf32, #tpu.memory_space<vmem>>, vector<1x16xf32>,
        %get3A_553 = vector.shape_cast %get3A_552 : vector<1x16xf32> to vector<16xf32>
        %swap3A_554 = arith.constant 1 : i32
        %swap3A_555 = arith.index_cast %swap3A_554 : i32 to index
        %swap3A_556 = arith.index_cast %add3A_538 : i32 to index
        %swap3A_557 = arith.constant 16 : index
        %swap3A_558 = tpu.vector_load %arg8[%swap3A_555, %swap3A_556, %swap3A_557] {strides = array<i32>} : memref<4x200x64xf32, #tpu.memory_space<vmem>>, vector<1x1x16xf32>,
        %swap3A_559 = vector.shape_cast %swap3A_558 : vector<1x1x16xf32> to vector<16xf32>
        %swap3A_560 = vector.shape_cast %get3A_553 : vector<16xf32> to vector<1x1x16xf32>
        tpu.vector_store %arg8[%swap3A_555, %swap3A_556, %swap3A_557], %swap3A_560 {add = true, strides = array<i32>} : memref<4x200x64xf32, #tpu.memory_space<vmem>>, vector<1x1x16xf32>,
        %get3A_561 = arith.index_cast %add3A_538 : i32 to index
        %get3A_562 = arith.constant 32 : index
        %get3A_563 = tpu.vector_load %arg7[%get3A_561, %get3A_562] {strides = array<i32>} : memref<200x64xf32, #tpu.memory_space<vmem>>, vector<1x16xf32>,
        %get3A_564 = vector.shape_cast %get3A_563 : vector<1x16xf32> to vector<16xf32>
        %swap3A_565 = arith.constant 1 : i32
        %swap3A_566 = arith.index_cast %swap3A_565 : i32 to index
        %swap3A_567 = arith.index_cast %add3A_538 : i32 to index
        %swap3A_568 = arith.constant 32 : index
        %swap3A_569 = tpu.vector_load %arg8[%swap3A_566, %swap3A_567, %swap3A_568] {strides = array<i32>} : memref<4x200x64xf32, #tpu.memory_space<vmem>>, vector<1x1x16xf32>,
        %swap3A_570 = vector.shape_cast %swap3A_569 : vector<1x1x16xf32> to vector<16xf32>
        %swap3A_571 = vector.shape_cast %get3A_564 : vector<16xf32> to vector<1x1x16xf32>
        tpu.vector_store %arg8[%swap3A_566, %swap3A_567, %swap3A_568], %swap3A_571 {add = true, strides = array<i32>} : memref<4x200x64xf32, #tpu.memory_space<vmem>>, vector<1x1x16xf32>,
        %get3A_572 = arith.index_cast %add3A_538 : i32 to index
        %get3A_573 = arith.constant 48 : index
        %get3A_574 = tpu.vector_load %arg7[%get3A_572, %get3A_573] {strides = array<i32>} : memref<200x64xf32, #tpu.memory_space<vmem>>, vector<1x16xf32>,
        %get3A_575 = vector.shape_cast %get3A_574 : vector<1x16xf32> to vector<16xf32>
        %swap3A_576 = arith.constant 1 : i32
        %swap3A_577 = arith.index_cast %swap3A_576 : i32 to index
        %swap3A_578 = arith.index_cast %add3A_538 : i32 to index
        %swap3A_579 = arith.constant 48 : index
        %swap3A_580 = tpu.vector_load %arg8[%swap3A_577, %swap3A_578, %swap3A_579] {strides = array<i32>} : memref<4x200x64xf32, #tpu.memory_space<vmem>>, vector<1x1x16xf32>,
        %swap3A_581 = vector.shape_cast %swap3A_580 : vector<1x1x16xf32> to vector<16xf32>
        %swap3A_582 = vector.shape_cast %get3A_575 : vector<16xf32> to vector<1x1x16xf32>
        tpu.vector_store %arg8[%swap3A_577, %swap3A_578, %swap3A_579], %swap3A_582 {add = true, strides = array<i32>} : memref<4x200x64xf32, #tpu.memory_space<vmem>>, vector<1x1x16xf32>,
      }
      %scan3A_222 = arith.constant 200 : i32
      %mul3A_223 = arith.constant 128 : i32
      %mul3A_224 = arith.muli %add3A, %mul3A_223 : i32
      %add3A_225 = arith.addi %mul3A_224, %add3A_177 : i32
      %dma_start3A_226 = arith.constant 1 : i32
      %dma_start3A_227 = arith.constant 1 : i32
      %dma_start3A_228 = arith.constant 0 : i32
      %dma_start3A_229 = arith.constant 0 : i32
      %dma_start3A_230 = tpu.memref_slice %arg8[%dma_start3A_226, %dma_start3A_228, %dma_start3A_229] : memref<4x200x64xf32, #tpu.memory_space<vmem>> -> memref<1x200x64xf32, #tpu.memory_space<vmem>>
      %dma_start3A_231 = tpu.memref_squeeze %dma_start3A_230 : memref<1x200x64xf32, #tpu.memory_space<vmem>> -> memref<200x64xf32, #tpu.memory_space<vmem>>
      %dma_start3A_232 = arith.constant 0 : i32
      %dma_start3A_233 = arith.constant 0 : i32
      %dma_start3A_234 = tpu.memref_slice %arg5[%add3A_225, %dma_start3A_232, %dma_start3A_233] : memref<4096x200x128xf32, #tpu.memory_space<hbm>> -> memref<1x200x64xf32, #tpu.memory_space<hbm>>
      %dma_start3A_235 = tpu.memref_squeeze %dma_start3A_234 : memref<1x200x64xf32, #tpu.memory_space<hbm>> -> memref<200x64xf32, #tpu.memory_space<hbm>>
      %dma_start3A_236 = tpu.memref_slice %arg10[%dma_start3A_227] : memref<4x!tpu.dma_semaphore, #tpu.memory_space<semaphore_mem>> -> memref<1x!tpu.dma_semaphore, #tpu.memory_space<semaphore_mem>>
      %dma_start3A_237 = tpu.memref_squeeze %dma_start3A_236 : memref<1x!tpu.dma_semaphore, #tpu.memory_space<semaphore_mem>> -> memref<!tpu.dma_semaphore, #tpu.memory_space<semaphore_mem>>
      %dma_start3A_238 = arith.constant 0 : i32
      %dma_start3A_239 = arith.constant 0 : i32
      %dma_start3A_240 = tpu.memref_slice %arg5[%add3A_225, %dma_start3A_238, %dma_start3A_239] : memref<4096x200x128xf32, #tpu.memory_space<hbm>> -> memref<1x200x64xf32, #tpu.memory_space<hbm>>
      %dma_start3A_241 = tpu.memref_squeeze %dma_start3A_240 : memref<1x200x64xf32, #tpu.memory_space<hbm>> -> memref<200x64xf32, #tpu.memory_space<hbm>>
      %dma_start3A_242 = arith.constant 0 : i32
      %dma_start3A_243 = arith.constant 0 : i32
      %dma_start3A_244 = tpu.memref_slice %arg8[%dma_start3A_226, %dma_start3A_242, %dma_start3A_243] : memref<4x200x64xf32, #tpu.memory_space<vmem>> -> memref<1x200x64xf32, #tpu.memory_space<vmem>>
      %dma_start3A_245 = tpu.memref_squeeze %dma_start3A_244 : memref<1x200x64xf32, #tpu.memory_space<vmem>> -> memref<200x64xf32, #tpu.memory_space<vmem>>
      tpu.enqueue_dma source(%dma_start3A_245 : memref<200x64xf32, #tpu.memory_space<vmem>>) target(%dma_start3A_241 : memref<200x64xf32, #tpu.memory_space<hbm>>) target_semaphore(%dma_start3A_237 : memref<!tpu.dma_semaphore, #tpu.memory_space<semaphore_mem>>)
      %add3A_246 = arith.constant 2 : i32
      %add3A_247 = arith.addi %add3A_109, %add3A_246 : i32
      %ge3A_248 = arith.constant 2 : i32
      %ge3A_249 = arith.cmpi sge, %add3A_247, %ge3A_248 : i32
      %convert_element_type3A_250 = arith.extui %ge3A_249 : i1 to i32
      %cond3A_251 = arith.constant 0 : i32
      %cond3A_252 = arith.cmpi ne, %convert_element_type3A_250, %cond3A_251 : i32
      scf.if %cond3A_252 {
        %sub3A = arith.constant 2 : i32
        %sub3A_386 = arith.subi %add3A_247, %sub3A : i32
        %mul3A_387 = arith.constant 128 : i32
        %mul3A_388 = arith.muli %add3A, %mul3A_387 : i32
        %add3A_389 = arith.addi %mul3A_388, %sub3A_386 : i32
        %dma_wait3A_390 = arith.constant 0 : i32
        %dma_wait3A_391 = arith.constant 0 : i32
        %dma_wait3A_392 = arith.constant 0 : i32
        %dma_wait3A_393 = arith.constant 0 : i32
        %dma_wait3A_394 = tpu.memref_slice %arg8[%dma_wait3A_390, %dma_wait3A_392, %dma_wait3A_393] : memref<4x200x64xf32, #tpu.memory_space<vmem>> -> memref<1x200x64xf32, #tpu.memory_space<vmem>>
        %dma_wait3A_395 = tpu.memref_squeeze %dma_wait3A_394 : memref<1x200x64xf32, #tpu.memory_space<vmem>> -> memref<200x64xf32, #tpu.memory_space<vmem>>
        %dma_wait3A_396 = arith.constant 0 : i32
        %dma_wait3A_397 = arith.constant 0 : i32
        %dma_wait3A_398 = tpu.memref_slice %arg5[%add3A_389, %dma_wait3A_396, %dma_wait3A_397] : memref<4096x200x128xf32, #tpu.memory_space<hbm>> -> memref<1x200x64xf32, #tpu.memory_space<hbm>>
        %dma_wait3A_399 = tpu.memref_squeeze %dma_wait3A_398 : memref<1x200x64xf32, #tpu.memory_space<hbm>> -> memref<200x64xf32, #tpu.memory_space<hbm>>
        %dma_wait3A_400 = tpu.memref_slice %arg10[%dma_wait3A_391] : memref<4x!tpu.dma_semaphore, #tpu.memory_space<semaphore_mem>> -> memref<1x!tpu.dma_semaphore, #tpu.memory_space<semaphore_mem>>
        %dma_wait3A_401 = tpu.memref_squeeze %dma_wait3A_400 : memref<1x!tpu.dma_semaphore, #tpu.memory_space<semaphore_mem>> -> memref<!tpu.dma_semaphore, #tpu.memory_space<semaphore_mem>>
        %dma_wait3A_402 = arith.constant 0 : i32
        %dma_wait3A_403 = arith.constant 0 : i32
        %dma_wait3A_404 = tpu.memref_slice %arg5[%add3A_389, %dma_wait3A_402, %dma_wait3A_403] : memref<4096x200x128xf32, #tpu.memory_space<hbm>> -> memref<1x200x64xf32, #tpu.memory_space<hbm>>
        %dma_wait3A_405 = tpu.memref_squeeze %dma_wait3A_404 : memref<1x200x64xf32, #tpu.memory_space<hbm>> -> memref<200x64xf32, #tpu.memory_space<hbm>>
        %dma_wait3A_406 = arith.constant 0 : i32
        %dma_wait3A_407 = arith.constant 0 : i32
        %dma_wait3A_408 = tpu.memref_slice %arg8[%dma_wait3A_390, %dma_wait3A_406, %dma_wait3A_407] : memref<4x200x64xf32, #tpu.memory_space<vmem>> -> memref<1x200x64xf32, #tpu.memory_space<vmem>>
        %dma_wait3A_409 = tpu.memref_squeeze %dma_wait3A_408 : memref<1x200x64xf32, #tpu.memory_space<vmem>> -> memref<200x64xf32, #tpu.memory_space<vmem>>
        tpu.wait_dma2 semaphore(%dma_wait3A_401 : memref<!tpu.dma_semaphore, #tpu.memory_space<semaphore_mem>>) src(%dma_wait3A_409 : memref<200x64xf32, #tpu.memory_space<vmem>>) dst(%dma_wait3A_405 : memref<200x64xf32, #tpu.memory_space<hbm>>)
      } else {
      }
      %add3A_253 = arith.constant 2 : i32
      %add3A_254 = arith.addi %add3A_247, %add3A_253 : i32
      %lt3A_255 = arith.constant 128 : i32
      %lt3A_256 = arith.cmpi slt, %add3A_254, %lt3A_255 : i32
      %convert_element_type3A_257 = arith.extui %lt3A_256 : i1 to i32
      %cond3A_258 = arith.constant 0 : i32
      %cond3A_259 = arith.cmpi ne, %convert_element_type3A_257, %cond3A_258 : i32
      scf.if %cond3A_259 {
        %add3A_386 = arith.constant 2 : i32
        %add3A_387 = arith.addi %add3A_247, %add3A_386 : i32
        %mul3A_388 = arith.constant 200 : i32
        %mul3A_389 = arith.muli %add3A_387, %mul3A_388 : i32
        %dma_start3A_390 = arith.constant 0 : i32
        %dma_start3A_391 = arith.constant 0 : i32
        %dma_start3A_392 = arith.constant 0 : i32
        %dma_start3A_393 = arith.constant 0 : i32
        %dma_start3A_394 = tpu.memref_slice %arg8[%dma_start3A_390, %dma_start3A_392, %dma_start3A_393] : memref<4x200x64xf32, #tpu.memory_space<vmem>> -> memref<1x104x64xf32, #tpu.memory_space<vmem>>
        %dma_start3A_395 = tpu.memref_squeeze %dma_start3A_394 : memref<1x104x64xf32, #tpu.memory_space<vmem>> -> memref<104x64xf32, #tpu.memory_space<vmem>>
        %dma_start3A_396 = tpu.memref_slice %arg6[%mul3A_389] : memref<25600xi32, #tpu.memory_space<vmem>> -> memref<104xi32, #tpu.memory_space<vmem>>
        %dma_start3A_397 = arith.constant 0 : i32
        %dma_start3A_398 = arith.constant 0 : i32
        %dma_start3A_399 = tpu.memref_slice %arg3[%dma_start3A_397, %dma_start3A_398] : memref<2000000x64xf32, #tpu.memory_space<hbm>> -> memref<2000000x64xf32, #tpu.memory_space<hbm>>
        %dma_start3A_400 = tpu.memref_slice %arg9[%dma_start3A_391] : memref<4x!tpu.dma_semaphore, #tpu.memory_space<semaphore_mem>> -> memref<1x!tpu.dma_semaphore, #tpu.memory_space<semaphore_mem>>
        %dma_start3A_401 = tpu.memref_squeeze %dma_start3A_400 : memref<1x!tpu.dma_semaphore, #tpu.memory_space<semaphore_mem>> -> memref<!tpu.dma_semaphore, #tpu.memory_space<semaphore_mem>>
        tpu.enqueue_indirect_dma source(%dma_start3A_399 : memref<2000000x64xf32, #tpu.memory_space<hbm>>) target(%dma_start3A_395 : memref<104x64xf32, #tpu.memory_space<vmem>>) offsets(%dma_start3A_396 : memref<104xi32, #tpu.memory_space<vmem>>) semaphore(%dma_start3A_401 : memref<!tpu.dma_semaphore, #tpu.memory_space<semaphore_mem>>)
        %add3A_402 = arith.constant 104 : i32
        %add3A_403 = arith.addi %mul3A_389, %add3A_402 : i32
        %dma_start3A_404 = arith.constant 0 : i32
        %dma_start3A_405 = arith.constant 0 : i32
        %dma_start3A_406 = arith.constant 104 : i32
        %dma_start3A_407 = arith.constant 0 : i32
        %dma_start3A_408 = tpu.memref_slice %arg8[%dma_start3A_404, %dma_start3A_406, %dma_start3A_407] : memref<4x200x64xf32, #tpu.memory_space<vmem>> -> memref<1x96x64xf32, #tpu.memory_space<vmem>>
        %dma_start3A_409 = tpu.memref_squeeze %dma_start3A_408 : memref<1x96x64xf32, #tpu.memory_space<vmem>> -> memref<96x64xf32, #tpu.memory_space<vmem>>
        %dma_start3A_410 = tpu.memref_slice %arg6[%add3A_403] : memref<25600xi32, #tpu.memory_space<vmem>> -> memref<96xi32, #tpu.memory_space<vmem>>
        %dma_start3A_411 = arith.constant 0 : i32
        %dma_start3A_412 = arith.constant 0 : i32
        %dma_start3A_413 = tpu.memref_slice %arg3[%dma_start3A_411, %dma_start3A_412] : memref<2000000x64xf32, #tpu.memory_space<hbm>> -> memref<2000000x64xf32, #tpu.memory_space<hbm>>
        %dma_start3A_414 = tpu.memref_slice %arg9[%dma_start3A_405] : memref<4x!tpu.dma_semaphore, #tpu.memory_space<semaphore_mem>> -> memref<1x!tpu.dma_semaphore, #tpu.memory_space<semaphore_mem>>
        %dma_start3A_415 = tpu.memref_squeeze %dma_start3A_414 : memref<1x!tpu.dma_semaphore, #tpu.memory_space<semaphore_mem>> -> memref<!tpu.dma_semaphore, #tpu.memory_space<semaphore_mem>>
        tpu.enqueue_indirect_dma source(%dma_start3A_413 : memref<2000000x64xf32, #tpu.memory_space<hbm>>) target(%dma_start3A_409 : memref<96x64xf32, #tpu.memory_space<vmem>>) offsets(%dma_start3A_410 : memref<96xi32, #tpu.memory_space<vmem>>) semaphore(%dma_start3A_415 : memref<!tpu.dma_semaphore, #tpu.memory_space<semaphore_mem>>)
      } else {
      }
      %mul3A_260 = arith.constant 200 : i32
      %mul3A_261 = arith.muli %add3A_247, %mul3A_260 : i32
      %dma_wait3A_262 = arith.constant 2 : i32
      %dma_wait3A_263 = arith.constant 2 : i32
      %dma_wait3A_264 = arith.constant 0 : i32
      %dma_wait3A_265 = arith.constant 0 : i32
      %dma_wait3A_266 = tpu.memref_slice %arg8[%dma_wait3A_262, %dma_wait3A_264, %dma_wait3A_265] : memref<4x200x64xf32, #tpu.memory_space<vmem>> -> memref<1x104x64xf32, #tpu.memory_space<vmem>>
      %dma_wait3A_267 = tpu.memref_squeeze %dma_wait3A_266 : memref<1x104x64xf32, #tpu.memory_space<vmem>> -> memref<104x64xf32, #tpu.memory_space<vmem>>
      %dma_wait3A_268 = tpu.memref_slice %arg6[%mul3A_261] : memref<25600xi32, #tpu.memory_space<vmem>> -> memref<104xi32, #tpu.memory_space<vmem>>
      %dma_wait3A_269 = arith.constant 0 : i32
      %dma_wait3A_270 = arith.constant 0 : i32
      %dma_wait3A_271 = tpu.memref_slice %arg3[%dma_wait3A_269, %dma_wait3A_270] : memref<2000000x64xf32, #tpu.memory_space<hbm>> -> memref<2000000x64xf32, #tpu.memory_space<hbm>>
      %dma_wait3A_272 = tpu.memref_slice %arg9[%dma_wait3A_263] : memref<4x!tpu.dma_semaphore, #tpu.memory_space<semaphore_mem>> -> memref<1x!tpu.dma_semaphore, #tpu.memory_space<semaphore_mem>>
      %dma_wait3A_273 = tpu.memref_squeeze %dma_wait3A_272 : memref<1x!tpu.dma_semaphore, #tpu.memory_space<semaphore_mem>> -> memref<!tpu.dma_semaphore, #tpu.memory_space<semaphore_mem>>
      tpu.wait_indirect_dma semaphore(%dma_wait3A_273 : memref<!tpu.dma_semaphore, #tpu.memory_space<semaphore_mem>>) src(%dma_wait3A_271 : memref<2000000x64xf32, #tpu.memory_space<hbm>>) dst(%dma_wait3A_267 : memref<104x64xf32, #tpu.memory_space<vmem>>)
      %add3A_274 = arith.constant 104 : i32
      %add3A_275 = arith.addi %mul3A_261, %add3A_274 : i32
      %dma_wait3A_276 = arith.constant 2 : i32
      %dma_wait3A_277 = arith.constant 2 : i32
      %dma_wait3A_278 = arith.constant 104 : i32
      %dma_wait3A_279 = arith.constant 0 : i32
      %dma_wait3A_280 = tpu.memref_slice %arg8[%dma_wait3A_276, %dma_wait3A_278, %dma_wait3A_279] : memref<4x200x64xf32, #tpu.memory_space<vmem>> -> memref<1x96x64xf32, #tpu.memory_space<vmem>>
      %dma_wait3A_281 = tpu.memref_squeeze %dma_wait3A_280 : memref<1x96x64xf32, #tpu.memory_space<vmem>> -> memref<96x64xf32, #tpu.memory_space<vmem>>
      %dma_wait3A_282 = tpu.memref_slice %arg6[%add3A_275] : memref<25600xi32, #tpu.memory_space<vmem>> -> memref<96xi32, #tpu.memory_space<vmem>>
      %dma_wait3A_283 = arith.constant 0 : i32
      %dma_wait3A_284 = arith.constant 0 : i32
      %dma_wait3A_285 = tpu.memref_slice %arg3[%dma_wait3A_283, %dma_wait3A_284] : memref<2000000x64xf32, #tpu.memory_space<hbm>> -> memref<2000000x64xf32, #tpu.memory_space<hbm>>
      %dma_wait3A_286 = tpu.memref_slice %arg9[%dma_wait3A_277] : memref<4x!tpu.dma_semaphore, #tpu.memory_space<semaphore_mem>> -> memref<1x!tpu.dma_semaphore, #tpu.memory_space<semaphore_mem>>
      %dma_wait3A_287 = tpu.memref_squeeze %dma_wait3A_286 : memref<1x!tpu.dma_semaphore, #tpu.memory_space<semaphore_mem>> -> memref<!tpu.dma_semaphore, #tpu.memory_space<semaphore_mem>>
      tpu.wait_indirect_dma semaphore(%dma_wait3A_287 : memref<!tpu.dma_semaphore, #tpu.memory_space<semaphore_mem>>) src(%dma_wait3A_285 : memref<2000000x64xf32, #tpu.memory_space<hbm>>) dst(%dma_wait3A_281 : memref<96x64xf32, #tpu.memory_space<vmem>>)
      %scan3A_288 = arith.constant 0 : i32
      %scan3A_289 = arith.constant 200 : i32
      %scan3A_290 = arith.addi %scan3A_288, %scan3A_289 : i32
      %scan3A_291 = arith.constant 4 : i32
      scf.for %scan3A_386 = %scan3A_288 to %scan3A_290 step %scan3A_291  : i32 {
        %mul3A_387 = arith.constant 1 : i32
        %mul3A_388 = arith.muli %scan3A_386, %mul3A_387 : i32
        %add3A_389 = arith.constant 0 : i32
        %add3A_390 = arith.addi %add3A_389, %mul3A_388 : i32
        %get3A = arith.index_cast %add3A_390 : i32 to index
        %get3A_391 = arith.constant 0 : index
        %get3A_392 = tpu.vector_load %arg7[%get3A, %get3A_391] {strides = array<i32>} : memref<200x64xf32, #tpu.memory_space<vmem>>, vector<1x16xf32>,
        %get3A_393 = vector.shape_cast %get3A_392 : vector<1x16xf32> to vector<16xf32>
        %swap3A = arith.constant 2 : i32
        %swap3A_394 = arith.index_cast %swap3A : i32 to index
        %swap3A_395 = arith.index_cast %add3A_390 : i32 to index
        %swap3A_396 = arith.constant 0 : index
        %swap3A_397 = tpu.vector_load %arg8[%swap3A_394, %swap3A_395, %swap3A_396] {strides = array<i32>} : memref<4x200x64xf32, #tpu.memory_space<vmem>>, vector<1x1x16xf32>,
        %swap3A_398 = vector.shape_cast %swap3A_397 : vector<1x1x16xf32> to vector<16xf32>
        %swap3A_399 = vector.shape_cast %get3A_393 : vector<16xf32> to vector<1x1x16xf32>
        tpu.vector_store %arg8[%swap3A_394, %swap3A_395, %swap3A_396], %swap3A_399 {add = true, strides = array<i32>} : memref<4x200x64xf32, #tpu.memory_space<vmem>>, vector<1x1x16xf32>,
        %get3A_400 = arith.index_cast %add3A_390 : i32 to index
        %get3A_401 = arith.constant 16 : index
        %get3A_402 = tpu.vector_load %arg7[%get3A_400, %get3A_401] {strides = array<i32>} : memref<200x64xf32, #tpu.memory_space<vmem>>, vector<1x16xf32>,
        %get3A_403 = vector.shape_cast %get3A_402 : vector<1x16xf32> to vector<16xf32>
        %swap3A_404 = arith.constant 2 : i32
        %swap3A_405 = arith.index_cast %swap3A_404 : i32 to index
        %swap3A_406 = arith.index_cast %add3A_390 : i32 to index
        %swap3A_407 = arith.constant 16 : index
        %swap3A_408 = tpu.vector_load %arg8[%swap3A_405, %swap3A_406, %swap3A_407] {strides = array<i32>} : memref<4x200x64xf32, #tpu.memory_space<vmem>>, vector<1x1x16xf32>,
        %swap3A_409 = vector.shape_cast %swap3A_408 : vector<1x1x16xf32> to vector<16xf32>
        %swap3A_410 = vector.shape_cast %get3A_403 : vector<16xf32> to vector<1x1x16xf32>
        tpu.vector_store %arg8[%swap3A_405, %swap3A_406, %swap3A_407], %swap3A_410 {add = true, strides = array<i32>} : memref<4x200x64xf32, #tpu.memory_space<vmem>>, vector<1x1x16xf32>,
        %get3A_411 = arith.index_cast %add3A_390 : i32 to index
        %get3A_412 = arith.constant 32 : index
        %get3A_413 = tpu.vector_load %arg7[%get3A_411, %get3A_412] {strides = array<i32>} : memref<200x64xf32, #tpu.memory_space<vmem>>, vector<1x16xf32>,
        %get3A_414 = vector.shape_cast %get3A_413 : vector<1x16xf32> to vector<16xf32>
        %swap3A_415 = arith.constant 2 : i32
        %swap3A_416 = arith.index_cast %swap3A_415 : i32 to index
        %swap3A_417 = arith.index_cast %add3A_390 : i32 to index
        %swap3A_418 = arith.constant 32 : index
        %swap3A_419 = tpu.vector_load %arg8[%swap3A_416, %swap3A_417, %swap3A_418] {strides = array<i32>} : memref<4x200x64xf32, #tpu.memory_space<vmem>>, vector<1x1x16xf32>,
        %swap3A_420 = vector.shape_cast %swap3A_419 : vector<1x1x16xf32> to vector<16xf32>
        %swap3A_421 = vector.shape_cast %get3A_414 : vector<16xf32> to vector<1x1x16xf32>
        tpu.vector_store %arg8[%swap3A_416, %swap3A_417, %swap3A_418], %swap3A_421 {add = true, strides = array<i32>} : memref<4x200x64xf32, #tpu.memory_space<vmem>>, vector<1x1x16xf32>,
        %get3A_422 = arith.index_cast %add3A_390 : i32 to index
        %get3A_423 = arith.constant 48 : index
        %get3A_424 = tpu.vector_load %arg7[%get3A_422, %get3A_423] {strides = array<i32>} : memref<200x64xf32, #tpu.memory_space<vmem>>, vector<1x16xf32>,
        %get3A_425 = vector.shape_cast %get3A_424 : vector<1x16xf32> to vector<16xf32>
        %swap3A_426 = arith.constant 2 : i32
        %swap3A_427 = arith.index_cast %swap3A_426 : i32 to index
        %swap3A_428 = arith.index_cast %add3A_390 : i32 to index
        %swap3A_429 = arith.constant 48 : index
        %swap3A_430 = tpu.vector_load %arg8[%swap3A_427, %swap3A_428, %swap3A_429] {strides = array<i32>} : memref<4x200x64xf32, #tpu.memory_space<vmem>>, vector<1x1x16xf32>,
        %swap3A_431 = vector.shape_cast %swap3A_430 : vector<1x1x16xf32> to vector<16xf32>
        %swap3A_432 = vector.shape_cast %get3A_425 : vector<16xf32> to vector<1x1x16xf32>
        tpu.vector_store %arg8[%swap3A_427, %swap3A_428, %swap3A_429], %swap3A_432 {add = true, strides = array<i32>} : memref<4x200x64xf32, #tpu.memory_space<vmem>>, vector<1x1x16xf32>,
        %scan3A_433 = arith.constant 1 : i32
        %scan3A_434 = arith.addi %scan3A_386, %scan3A_433 : i32
        %mul3A_435 = arith.constant 1 : i32
        %mul3A_436 = arith.muli %scan3A_434, %mul3A_435 : i32
        %add3A_437 = arith.constant 0 : i32
        %add3A_438 = arith.addi %add3A_437, %mul3A_436 : i32
        %get3A_439 = arith.index_cast %add3A_438 : i32 to index
        %get3A_440 = arith.constant 0 : index
        %get3A_441 = tpu.vector_load %arg7[%get3A_439, %get3A_440] {strides = array<i32>} : memref<200x64xf32, #tpu.memory_space<vmem>>, vector<1x16xf32>,
        %get3A_442 = vector.shape_cast %get3A_441 : vector<1x16xf32> to vector<16xf32>
        %swap3A_443 = arith.constant 2 : i32
        %swap3A_444 = arith.index_cast %swap3A_443 : i32 to index
        %swap3A_445 = arith.index_cast %add3A_438 : i32 to index
        %swap3A_446 = arith.constant 0 : index
        %swap3A_447 = tpu.vector_load %arg8[%swap3A_444, %swap3A_445, %swap3A_446] {strides = array<i32>} : memref<4x200x64xf32, #tpu.memory_space<vmem>>, vector<1x1x16xf32>,
        %swap3A_448 = vector.shape_cast %swap3A_447 : vector<1x1x16xf32> to vector<16xf32>
        %swap3A_449 = vector.shape_cast %get3A_442 : vector<16xf32> to vector<1x1x16xf32>
        tpu.vector_store %arg8[%swap3A_444, %swap3A_445, %swap3A_446], %swap3A_449 {add = true, strides = array<i32>} : memref<4x200x64xf32, #tpu.memory_space<vmem>>, vector<1x1x16xf32>,
        %get3A_450 = arith.index_cast %add3A_438 : i32 to index
        %get3A_451 = arith.constant 16 : index
        %get3A_452 = tpu.vector_load %arg7[%get3A_450, %get3A_451] {strides = array<i32>} : memref<200x64xf32, #tpu.memory_space<vmem>>, vector<1x16xf32>,
        %get3A_453 = vector.shape_cast %get3A_452 : vector<1x16xf32> to vector<16xf32>
        %swap3A_454 = arith.constant 2 : i32
        %swap3A_455 = arith.index_cast %swap3A_454 : i32 to index
        %swap3A_456 = arith.index_cast %add3A_438 : i32 to index
        %swap3A_457 = arith.constant 16 : index
        %swap3A_458 = tpu.vector_load %arg8[%swap3A_455, %swap3A_456, %swap3A_457] {strides = array<i32>} : memref<4x200x64xf32, #tpu.memory_space<vmem>>, vector<1x1x16xf32>,
        %swap3A_459 = vector.shape_cast %swap3A_458 : vector<1x1x16xf32> to vector<16xf32>
        %swap3A_460 = vector.shape_cast %get3A_453 : vector<16xf32> to vector<1x1x16xf32>
        tpu.vector_store %arg8[%swap3A_455, %swap3A_456, %swap3A_457], %swap3A_460 {add = true, strides = array<i32>} : memref<4x200x64xf32, #tpu.memory_space<vmem>>, vector<1x1x16xf32>,
        %get3A_461 = arith.index_cast %add3A_438 : i32 to index
        %get3A_462 = arith.constant 32 : index
        %get3A_463 = tpu.vector_load %arg7[%get3A_461, %get3A_462] {strides = array<i32>} : memref<200x64xf32, #tpu.memory_space<vmem>>, vector<1x16xf32>,
        %get3A_464 = vector.shape_cast %get3A_463 : vector<1x16xf32> to vector<16xf32>
        %swap3A_465 = arith.constant 2 : i32
        %swap3A_466 = arith.index_cast %swap3A_465 : i32 to index
        %swap3A_467 = arith.index_cast %add3A_438 : i32 to index
        %swap3A_468 = arith.constant 32 : index
        %swap3A_469 = tpu.vector_load %arg8[%swap3A_466, %swap3A_467, %swap3A_468] {strides = array<i32>} : memref<4x200x64xf32, #tpu.memory_space<vmem>>, vector<1x1x16xf32>,
        %swap3A_470 = vector.shape_cast %swap3A_469 : vector<1x1x16xf32> to vector<16xf32>
        %swap3A_471 = vector.shape_cast %get3A_464 : vector<16xf32> to vector<1x1x16xf32>
        tpu.vector_store %arg8[%swap3A_466, %swap3A_467, %swap3A_468], %swap3A_471 {add = true, strides = array<i32>} : memref<4x200x64xf32, #tpu.memory_space<vmem>>, vector<1x1x16xf32>,
        %get3A_472 = arith.index_cast %add3A_438 : i32 to index
        %get3A_473 = arith.constant 48 : index
        %get3A_474 = tpu.vector_load %arg7[%get3A_472, %get3A_473] {strides = array<i32>} : memref<200x64xf32, #tpu.memory_space<vmem>>, vector<1x16xf32>,
        %get3A_475 = vector.shape_cast %get3A_474 : vector<1x16xf32> to vector<16xf32>
        %swap3A_476 = arith.constant 2 : i32
        %swap3A_477 = arith.index_cast %swap3A_476 : i32 to index
        %swap3A_478 = arith.index_cast %add3A_438 : i32 to index
        %swap3A_479 = arith.constant 48 : index
        %swap3A_480 = tpu.vector_load %arg8[%swap3A_477, %swap3A_478, %swap3A_479] {strides = array<i32>} : memref<4x200x64xf32, #tpu.memory_space<vmem>>, vector<1x1x16xf32>,
        %swap3A_481 = vector.shape_cast %swap3A_480 : vector<1x1x16xf32> to vector<16xf32>
        %swap3A_482 = vector.shape_cast %get3A_475 : vector<16xf32> to vector<1x1x16xf32>
        tpu.vector_store %arg8[%swap3A_477, %swap3A_478, %swap3A_479], %swap3A_482 {add = true, strides = array<i32>} : memref<4x200x64xf32, #tpu.memory_space<vmem>>, vector<1x1x16xf32>,
        %scan3A_483 = arith.constant 2 : i32
        %scan3A_484 = arith.addi %scan3A_386, %scan3A_483 : i32
        %mul3A_485 = arith.constant 1 : i32
        %mul3A_486 = arith.muli %scan3A_484, %mul3A_485 : i32
        %add3A_487 = arith.constant 0 : i32
        %add3A_488 = arith.addi %add3A_487, %mul3A_486 : i32
        %get3A_489 = arith.index_cast %add3A_488 : i32 to index
        %get3A_490 = arith.constant 0 : index
        %get3A_491 = tpu.vector_load %arg7[%get3A_489, %get3A_490] {strides = array<i32>} : memref<200x64xf32, #tpu.memory_space<vmem>>, vector<1x16xf32>,
        %get3A_492 = vector.shape_cast %get3A_491 : vector<1x16xf32> to vector<16xf32>
        %swap3A_493 = arith.constant 2 : i32
        %swap3A_494 = arith.index_cast %swap3A_493 : i32 to index
        %swap3A_495 = arith.index_cast %add3A_488 : i32 to index
        %swap3A_496 = arith.constant 0 : index
        %swap3A_497 = tpu.vector_load %arg8[%swap3A_494, %swap3A_495, %swap3A_496] {strides = array<i32>} : memref<4x200x64xf32, #tpu.memory_space<vmem>>, vector<1x1x16xf32>,
        %swap3A_498 = vector.shape_cast %swap3A_497 : vector<1x1x16xf32> to vector<16xf32>
        %swap3A_499 = vector.shape_cast %get3A_492 : vector<16xf32> to vector<1x1x16xf32>
        tpu.vector_store %arg8[%swap3A_494, %swap3A_495, %swap3A_496], %swap3A_499 {add = true, strides = array<i32>} : memref<4x200x64xf32, #tpu.memory_space<vmem>>, vector<1x1x16xf32>,
        %get3A_500 = arith.index_cast %add3A_488 : i32 to index
        %get3A_501 = arith.constant 16 : index
        %get3A_502 = tpu.vector_load %arg7[%get3A_500, %get3A_501] {strides = array<i32>} : memref<200x64xf32, #tpu.memory_space<vmem>>, vector<1x16xf32>,
        %get3A_503 = vector.shape_cast %get3A_502 : vector<1x16xf32> to vector<16xf32>
        %swap3A_504 = arith.constant 2 : i32
        %swap3A_505 = arith.index_cast %swap3A_504 : i32 to index
        %swap3A_506 = arith.index_cast %add3A_488 : i32 to index
        %swap3A_507 = arith.constant 16 : index
        %swap3A_508 = tpu.vector_load %arg8[%swap3A_505, %swap3A_506, %swap3A_507] {strides = array<i32>} : memref<4x200x64xf32, #tpu.memory_space<vmem>>, vector<1x1x16xf32>,
        %swap3A_509 = vector.shape_cast %swap3A_508 : vector<1x1x16xf32> to vector<16xf32>
        %swap3A_510 = vector.shape_cast %get3A_503 : vector<16xf32> to vector<1x1x16xf32>
        tpu.vector_store %arg8[%swap3A_505, %swap3A_506, %swap3A_507], %swap3A_510 {add = true, strides = array<i32>} : memref<4x200x64xf32, #tpu.memory_space<vmem>>, vector<1x1x16xf32>,
        %get3A_511 = arith.index_cast %add3A_488 : i32 to index
        %get3A_512 = arith.constant 32 : index
        %get3A_513 = tpu.vector_load %arg7[%get3A_511, %get3A_512] {strides = array<i32>} : memref<200x64xf32, #tpu.memory_space<vmem>>, vector<1x16xf32>,
        %get3A_514 = vector.shape_cast %get3A_513 : vector<1x16xf32> to vector<16xf32>
        %swap3A_515 = arith.constant 2 : i32
        %swap3A_516 = arith.index_cast %swap3A_515 : i32 to index
        %swap3A_517 = arith.index_cast %add3A_488 : i32 to index
        %swap3A_518 = arith.constant 32 : index
        %swap3A_519 = tpu.vector_load %arg8[%swap3A_516, %swap3A_517, %swap3A_518] {strides = array<i32>} : memref<4x200x64xf32, #tpu.memory_space<vmem>>, vector<1x1x16xf32>,
        %swap3A_520 = vector.shape_cast %swap3A_519 : vector<1x1x16xf32> to vector<16xf32>
        %swap3A_521 = vector.shape_cast %get3A_514 : vector<16xf32> to vector<1x1x16xf32>
        tpu.vector_store %arg8[%swap3A_516, %swap3A_517, %swap3A_518], %swap3A_521 {add = true, strides = array<i32>} : memref<4x200x64xf32, #tpu.memory_space<vmem>>, vector<1x1x16xf32>,
        %get3A_522 = arith.index_cast %add3A_488 : i32 to index
        %get3A_523 = arith.constant 48 : index
        %get3A_524 = tpu.vector_load %arg7[%get3A_522, %get3A_523] {strides = array<i32>} : memref<200x64xf32, #tpu.memory_space<vmem>>, vector<1x16xf32>,
        %get3A_525 = vector.shape_cast %get3A_524 : vector<1x16xf32> to vector<16xf32>
        %swap3A_526 = arith.constant 2 : i32
        %swap3A_527 = arith.index_cast %swap3A_526 : i32 to index
        %swap3A_528 = arith.index_cast %add3A_488 : i32 to index
        %swap3A_529 = arith.constant 48 : index
        %swap3A_530 = tpu.vector_load %arg8[%swap3A_527, %swap3A_528, %swap3A_529] {strides = array<i32>} : memref<4x200x64xf32, #tpu.memory_space<vmem>>, vector<1x1x16xf32>,
        %swap3A_531 = vector.shape_cast %swap3A_530 : vector<1x1x16xf32> to vector<16xf32>
        %swap3A_532 = vector.shape_cast %get3A_525 : vector<16xf32> to vector<1x1x16xf32>
        tpu.vector_store %arg8[%swap3A_527, %swap3A_528, %swap3A_529], %swap3A_532 {add = true, strides = array<i32>} : memref<4x200x64xf32, #tpu.memory_space<vmem>>, vector<1x1x16xf32>,
        %scan3A_533 = arith.constant 3 : i32
        %scan3A_534 = arith.addi %scan3A_386, %scan3A_533 : i32
        %mul3A_535 = arith.constant 1 : i32
        %mul3A_536 = arith.muli %scan3A_534, %mul3A_535 : i32
        %add3A_537 = arith.constant 0 : i32
        %add3A_538 = arith.addi %add3A_537, %mul3A_536 : i32
        %get3A_539 = arith.index_cast %add3A_538 : i32 to index
        %get3A_540 = arith.constant 0 : index
        %get3A_541 = tpu.vector_load %arg7[%get3A_539, %get3A_540] {strides = array<i32>} : memref<200x64xf32, #tpu.memory_space<vmem>>, vector<1x16xf32>,
        %get3A_542 = vector.shape_cast %get3A_541 : vector<1x16xf32> to vector<16xf32>
        %swap3A_543 = arith.constant 2 : i32
        %swap3A_544 = arith.index_cast %swap3A_543 : i32 to index
        %swap3A_545 = arith.index_cast %add3A_538 : i32 to index
        %swap3A_546 = arith.constant 0 : index
        %swap3A_547 = tpu.vector_load %arg8[%swap3A_544, %swap3A_545, %swap3A_546] {strides = array<i32>} : memref<4x200x64xf32, #tpu.memory_space<vmem>>, vector<1x1x16xf32>,
        %swap3A_548 = vector.shape_cast %swap3A_547 : vector<1x1x16xf32> to vector<16xf32>
        %swap3A_549 = vector.shape_cast %get3A_542 : vector<16xf32> to vector<1x1x16xf32>
        tpu.vector_store %arg8[%swap3A_544, %swap3A_545, %swap3A_546], %swap3A_549 {add = true, strides = array<i32>} : memref<4x200x64xf32, #tpu.memory_space<vmem>>, vector<1x1x16xf32>,
        %get3A_550 = arith.index_cast %add3A_538 : i32 to index
        %get3A_551 = arith.constant 16 : index
        %get3A_552 = tpu.vector_load %arg7[%get3A_550, %get3A_551] {strides = array<i32>} : memref<200x64xf32, #tpu.memory_space<vmem>>, vector<1x16xf32>,
        %get3A_553 = vector.shape_cast %get3A_552 : vector<1x16xf32> to vector<16xf32>
        %swap3A_554 = arith.constant 2 : i32
        %swap3A_555 = arith.index_cast %swap3A_554 : i32 to index
        %swap3A_556 = arith.index_cast %add3A_538 : i32 to index
        %swap3A_557 = arith.constant 16 : index
        %swap3A_558 = tpu.vector_load %arg8[%swap3A_555, %swap3A_556, %swap3A_557] {strides = array<i32>} : memref<4x200x64xf32, #tpu.memory_space<vmem>>, vector<1x1x16xf32>,
        %swap3A_559 = vector.shape_cast %swap3A_558 : vector<1x1x16xf32> to vector<16xf32>
        %swap3A_560 = vector.shape_cast %get3A_553 : vector<16xf32> to vector<1x1x16xf32>
        tpu.vector_store %arg8[%swap3A_555, %swap3A_556, %swap3A_557], %swap3A_560 {add = true, strides = array<i32>} : memref<4x200x64xf32, #tpu.memory_space<vmem>>, vector<1x1x16xf32>,
        %get3A_561 = arith.index_cast %add3A_538 : i32 to index
        %get3A_562 = arith.constant 32 : index
        %get3A_563 = tpu.vector_load %arg7[%get3A_561, %get3A_562] {strides = array<i32>} : memref<200x64xf32, #tpu.memory_space<vmem>>, vector<1x16xf32>,
        %get3A_564 = vector.shape_cast %get3A_563 : vector<1x16xf32> to vector<16xf32>
        %swap3A_565 = arith.constant 2 : i32
        %swap3A_566 = arith.index_cast %swap3A_565 : i32 to index
        %swap3A_567 = arith.index_cast %add3A_538 : i32 to index
        %swap3A_568 = arith.constant 32 : index
        %swap3A_569 = tpu.vector_load %arg8[%swap3A_566, %swap3A_567, %swap3A_568] {strides = array<i32>} : memref<4x200x64xf32, #tpu.memory_space<vmem>>, vector<1x1x16xf32>,
        %swap3A_570 = vector.shape_cast %swap3A_569 : vector<1x1x16xf32> to vector<16xf32>
        %swap3A_571 = vector.shape_cast %get3A_564 : vector<16xf32> to vector<1x1x16xf32>
        tpu.vector_store %arg8[%swap3A_566, %swap3A_567, %swap3A_568], %swap3A_571 {add = true, strides = array<i32>} : memref<4x200x64xf32, #tpu.memory_space<vmem>>, vector<1x1x16xf32>,
        %get3A_572 = arith.index_cast %add3A_538 : i32 to index
        %get3A_573 = arith.constant 48 : index
        %get3A_574 = tpu.vector_load %arg7[%get3A_572, %get3A_573] {strides = array<i32>} : memref<200x64xf32, #tpu.memory_space<vmem>>, vector<1x16xf32>,
        %get3A_575 = vector.shape_cast %get3A_574 : vector<1x16xf32> to vector<16xf32>
        %swap3A_576 = arith.constant 2 : i32
        %swap3A_577 = arith.index_cast %swap3A_576 : i32 to index
        %swap3A_578 = arith.index_cast %add3A_538 : i32 to index
        %swap3A_579 = arith.constant 48 : index
        %swap3A_580 = tpu.vector_load %arg8[%swap3A_577, %swap3A_578, %swap3A_579] {strides = array<i32>} : memref<4x200x64xf32, #tpu.memory_space<vmem>>, vector<1x1x16xf32>,
        %swap3A_581 = vector.shape_cast %swap3A_580 : vector<1x1x16xf32> to vector<16xf32>
        %swap3A_582 = vector.shape_cast %get3A_575 : vector<16xf32> to vector<1x1x16xf32>
        tpu.vector_store %arg8[%swap3A_577, %swap3A_578, %swap3A_579], %swap3A_582 {add = true, strides = array<i32>} : memref<4x200x64xf32, #tpu.memory_space<vmem>>, vector<1x1x16xf32>,
      }
      %scan3A_292 = arith.constant 200 : i32
      %mul3A_293 = arith.constant 128 : i32
      %mul3A_294 = arith.muli %add3A, %mul3A_293 : i32
      %add3A_295 = arith.addi %mul3A_294, %add3A_247 : i32
      %dma_start3A_296 = arith.constant 2 : i32
      %dma_start3A_297 = arith.constant 2 : i32
      %dma_start3A_298 = arith.constant 0 : i32
      %dma_start3A_299 = arith.constant 0 : i32
      %dma_start3A_300 = tpu.memref_slice %arg8[%dma_start3A_296, %dma_start3A_298, %dma_start3A_299] : memref<4x200x64xf32, #tpu.memory_space<vmem>> -> memref<1x200x64xf32, #tpu.memory_space<vmem>>
      %dma_start3A_301 = tpu.memref_squeeze %dma_start3A_300 : memref<1x200x64xf32, #tpu.memory_space<vmem>> -> memref<200x64xf32, #tpu.memory_space<vmem>>
      %dma_start3A_302 = arith.constant 0 : i32
      %dma_start3A_303 = arith.constant 0 : i32
      %dma_start3A_304 = tpu.memref_slice %arg5[%add3A_295, %dma_start3A_302, %dma_start3A_303] : memref<4096x200x128xf32, #tpu.memory_space<hbm>> -> memref<1x200x64xf32, #tpu.memory_space<hbm>>
      %dma_start3A_305 = tpu.memref_squeeze %dma_start3A_304 : memref<1x200x64xf32, #tpu.memory_space<hbm>> -> memref<200x64xf32, #tpu.memory_space<hbm>>
      %dma_start3A_306 = tpu.memref_slice %arg10[%dma_start3A_297] : memref<4x!tpu.dma_semaphore, #tpu.memory_space<semaphore_mem>> -> memref<1x!tpu.dma_semaphore, #tpu.memory_space<semaphore_mem>>
      %dma_start3A_307 = tpu.memref_squeeze %dma_start3A_306 : memref<1x!tpu.dma_semaphore, #tpu.memory_space<semaphore_mem>> -> memref<!tpu.dma_semaphore, #tpu.memory_space<semaphore_mem>>
      %dma_start3A_308 = arith.constant 0 : i32
      %dma_start3A_309 = arith.constant 0 : i32
      %dma_start3A_310 = tpu.memref_slice %arg5[%add3A_295, %dma_start3A_308, %dma_start3A_309] : memref<4096x200x128xf32, #tpu.memory_space<hbm>> -> memref<1x200x64xf32, #tpu.memory_space<hbm>>
      %dma_start3A_311 = tpu.memref_squeeze %dma_start3A_310 : memref<1x200x64xf32, #tpu.memory_space<hbm>> -> memref<200x64xf32, #tpu.memory_space<hbm>>
      %dma_start3A_312 = arith.constant 0 : i32
      %dma_start3A_313 = arith.constant 0 : i32
      %dma_start3A_314 = tpu.memref_slice %arg8[%dma_start3A_296, %dma_start3A_312, %dma_start3A_313] : memref<4x200x64xf32, #tpu.memory_space<vmem>> -> memref<1x200x64xf32, #tpu.memory_space<vmem>>
      %dma_start3A_315 = tpu.memref_squeeze %dma_start3A_314 : memref<1x200x64xf32, #tpu.memory_space<vmem>> -> memref<200x64xf32, #tpu.memory_space<vmem>>
      tpu.enqueue_dma source(%dma_start3A_315 : memref<200x64xf32, #tpu.memory_space<vmem>>) target(%dma_start3A_311 : memref<200x64xf32, #tpu.memory_space<hbm>>) target_semaphore(%dma_start3A_307 : memref<!tpu.dma_semaphore, #tpu.memory_space<semaphore_mem>>)
      %add3A_316 = arith.constant 3 : i32
      %add3A_317 = arith.addi %add3A_109, %add3A_316 : i32
      %ge3A_318 = arith.constant 2 : i32
      %ge3A_319 = arith.cmpi sge, %add3A_317, %ge3A_318 : i32
      %convert_element_type3A_320 = arith.extui %ge3A_319 : i1 to i32
      %cond3A_321 = arith.constant 0 : i32
      %cond3A_322 = arith.cmpi ne, %convert_element_type3A_320, %cond3A_321 : i32
      scf.if %cond3A_322 {
        %sub3A = arith.constant 2 : i32
        %sub3A_386 = arith.subi %add3A_317, %sub3A : i32
        %mul3A_387 = arith.constant 128 : i32
        %mul3A_388 = arith.muli %add3A, %mul3A_387 : i32
        %add3A_389 = arith.addi %mul3A_388, %sub3A_386 : i32
        %dma_wait3A_390 = arith.constant 1 : i32
        %dma_wait3A_391 = arith.constant 1 : i32
        %dma_wait3A_392 = arith.constant 0 : i32
        %dma_wait3A_393 = arith.constant 0 : i32
        %dma_wait3A_394 = tpu.memref_slice %arg8[%dma_wait3A_390, %dma_wait3A_392, %dma_wait3A_393] : memref<4x200x64xf32, #tpu.memory_space<vmem>> -> memref<1x200x64xf32, #tpu.memory_space<vmem>>
        %dma_wait3A_395 = tpu.memref_squeeze %dma_wait3A_394 : memref<1x200x64xf32, #tpu.memory_space<vmem>> -> memref<200x64xf32, #tpu.memory_space<vmem>>
        %dma_wait3A_396 = arith.constant 0 : i32
        %dma_wait3A_397 = arith.constant 0 : i32
        %dma_wait3A_398 = tpu.memref_slice %arg5[%add3A_389, %dma_wait3A_396, %dma_wait3A_397] : memref<4096x200x128xf32, #tpu.memory_space<hbm>> -> memref<1x200x64xf32, #tpu.memory_space<hbm>>
        %dma_wait3A_399 = tpu.memref_squeeze %dma_wait3A_398 : memref<1x200x64xf32, #tpu.memory_space<hbm>> -> memref<200x64xf32, #tpu.memory_space<hbm>>
        %dma_wait3A_400 = tpu.memref_slice %arg10[%dma_wait3A_391] : memref<4x!tpu.dma_semaphore, #tpu.memory_space<semaphore_mem>> -> memref<1x!tpu.dma_semaphore, #tpu.memory_space<semaphore_mem>>
        %dma_wait3A_401 = tpu.memref_squeeze %dma_wait3A_400 : memref<1x!tpu.dma_semaphore, #tpu.memory_space<semaphore_mem>> -> memref<!tpu.dma_semaphore, #tpu.memory_space<semaphore_mem>>
        %dma_wait3A_402 = arith.constant 0 : i32
        %dma_wait3A_403 = arith.constant 0 : i32
        %dma_wait3A_404 = tpu.memref_slice %arg5[%add3A_389, %dma_wait3A_402, %dma_wait3A_403] : memref<4096x200x128xf32, #tpu.memory_space<hbm>> -> memref<1x200x64xf32, #tpu.memory_space<hbm>>
        %dma_wait3A_405 = tpu.memref_squeeze %dma_wait3A_404 : memref<1x200x64xf32, #tpu.memory_space<hbm>> -> memref<200x64xf32, #tpu.memory_space<hbm>>
        %dma_wait3A_406 = arith.constant 0 : i32
        %dma_wait3A_407 = arith.constant 0 : i32
        %dma_wait3A_408 = tpu.memref_slice %arg8[%dma_wait3A_390, %dma_wait3A_406, %dma_wait3A_407] : memref<4x200x64xf32, #tpu.memory_space<vmem>> -> memref<1x200x64xf32, #tpu.memory_space<vmem>>
        %dma_wait3A_409 = tpu.memref_squeeze %dma_wait3A_408 : memref<1x200x64xf32, #tpu.memory_space<vmem>> -> memref<200x64xf32, #tpu.memory_space<vmem>>
        tpu.wait_dma2 semaphore(%dma_wait3A_401 : memref<!tpu.dma_semaphore, #tpu.memory_space<semaphore_mem>>) src(%dma_wait3A_409 : memref<200x64xf32, #tpu.memory_space<vmem>>) dst(%dma_wait3A_405 : memref<200x64xf32, #tpu.memory_space<hbm>>)
      } else {
      }
      %add3A_323 = arith.constant 2 : i32
      %add3A_324 = arith.addi %add3A_317, %add3A_323 : i32
      %lt3A_325 = arith.constant 128 : i32
      %lt3A_326 = arith.cmpi slt, %add3A_324, %lt3A_325 : i32
      %convert_element_type3A_327 = arith.extui %lt3A_326 : i1 to i32
      %cond3A_328 = arith.constant 0 : i32
      %cond3A_329 = arith.cmpi ne, %convert_element_type3A_327, %cond3A_328 : i32
      scf.if %cond3A_329 {
        %add3A_386 = arith.constant 2 : i32
        %add3A_387 = arith.addi %add3A_317, %add3A_386 : i32
        %mul3A_388 = arith.constant 200 : i32
        %mul3A_389 = arith.muli %add3A_387, %mul3A_388 : i32
        %dma_start3A_390 = arith.constant 1 : i32
        %dma_start3A_391 = arith.constant 1 : i32
        %dma_start3A_392 = arith.constant 0 : i32
        %dma_start3A_393 = arith.constant 0 : i32
        %dma_start3A_394 = tpu.memref_slice %arg8[%dma_start3A_390, %dma_start3A_392, %dma_start3A_393] : memref<4x200x64xf32, #tpu.memory_space<vmem>> -> memref<1x104x64xf32, #tpu.memory_space<vmem>>
        %dma_start3A_395 = tpu.memref_squeeze %dma_start3A_394 : memref<1x104x64xf32, #tpu.memory_space<vmem>> -> memref<104x64xf32, #tpu.memory_space<vmem>>
        %dma_start3A_396 = tpu.memref_slice %arg6[%mul3A_389] : memref<25600xi32, #tpu.memory_space<vmem>> -> memref<104xi32, #tpu.memory_space<vmem>>
        %dma_start3A_397 = arith.constant 0 : i32
        %dma_start3A_398 = arith.constant 0 : i32
        %dma_start3A_399 = tpu.memref_slice %arg3[%dma_start3A_397, %dma_start3A_398] : memref<2000000x64xf32, #tpu.memory_space<hbm>> -> memref<2000000x64xf32, #tpu.memory_space<hbm>>
        %dma_start3A_400 = tpu.memref_slice %arg9[%dma_start3A_391] : memref<4x!tpu.dma_semaphore, #tpu.memory_space<semaphore_mem>> -> memref<1x!tpu.dma_semaphore, #tpu.memory_space<semaphore_mem>>
        %dma_start3A_401 = tpu.memref_squeeze %dma_start3A_400 : memref<1x!tpu.dma_semaphore, #tpu.memory_space<semaphore_mem>> -> memref<!tpu.dma_semaphore, #tpu.memory_space<semaphore_mem>>
        tpu.enqueue_indirect_dma source(%dma_start3A_399 : memref<2000000x64xf32, #tpu.memory_space<hbm>>) target(%dma_start3A_395 : memref<104x64xf32, #tpu.memory_space<vmem>>) offsets(%dma_start3A_396 : memref<104xi32, #tpu.memory_space<vmem>>) semaphore(%dma_start3A_401 : memref<!tpu.dma_semaphore, #tpu.memory_space<semaphore_mem>>)
        %add3A_402 = arith.constant 104 : i32
        %add3A_403 = arith.addi %mul3A_389, %add3A_402 : i32
        %dma_start3A_404 = arith.constant 1 : i32
        %dma_start3A_405 = arith.constant 1 : i32
        %dma_start3A_406 = arith.constant 104 : i32
        %dma_start3A_407 = arith.constant 0 : i32
        %dma_start3A_408 = tpu.memref_slice %arg8[%dma_start3A_404, %dma_start3A_406, %dma_start3A_407] : memref<4x200x64xf32, #tpu.memory_space<vmem>> -> memref<1x96x64xf32, #tpu.memory_space<vmem>>
        %dma_start3A_409 = tpu.memref_squeeze %dma_start3A_408 : memref<1x96x64xf32, #tpu.memory_space<vmem>> -> memref<96x64xf32, #tpu.memory_space<vmem>>
        %dma_start3A_410 = tpu.memref_slice %arg6[%add3A_403] : memref<25600xi32, #tpu.memory_space<vmem>> -> memref<96xi32, #tpu.memory_space<vmem>>
        %dma_start3A_411 = arith.constant 0 : i32
        %dma_start3A_412 = arith.constant 0 : i32
        %dma_start3A_413 = tpu.memref_slice %arg3[%dma_start3A_411, %dma_start3A_412] : memref<2000000x64xf32, #tpu.memory_space<hbm>> -> memref<2000000x64xf32, #tpu.memory_space<hbm>>
        %dma_start3A_414 = tpu.memref_slice %arg9[%dma_start3A_405] : memref<4x!tpu.dma_semaphore, #tpu.memory_space<semaphore_mem>> -> memref<1x!tpu.dma_semaphore, #tpu.memory_space<semaphore_mem>>
        %dma_start3A_415 = tpu.memref_squeeze %dma_start3A_414 : memref<1x!tpu.dma_semaphore, #tpu.memory_space<semaphore_mem>> -> memref<!tpu.dma_semaphore, #tpu.memory_space<semaphore_mem>>
        tpu.enqueue_indirect_dma source(%dma_start3A_413 : memref<2000000x64xf32, #tpu.memory_space<hbm>>) target(%dma_start3A_409 : memref<96x64xf32, #tpu.memory_space<vmem>>) offsets(%dma_start3A_410 : memref<96xi32, #tpu.memory_space<vmem>>) semaphore(%dma_start3A_415 : memref<!tpu.dma_semaphore, #tpu.memory_space<semaphore_mem>>)
      } else {
      }
      %mul3A_330 = arith.constant 200 : i32
      %mul3A_331 = arith.muli %add3A_317, %mul3A_330 : i32
      %dma_wait3A_332 = arith.constant 3 : i32
      %dma_wait3A_333 = arith.constant 3 : i32
      %dma_wait3A_334 = arith.constant 0 : i32
      %dma_wait3A_335 = arith.constant 0 : i32
      %dma_wait3A_336 = tpu.memref_slice %arg8[%dma_wait3A_332, %dma_wait3A_334, %dma_wait3A_335] : memref<4x200x64xf32, #tpu.memory_space<vmem>> -> memref<1x104x64xf32, #tpu.memory_space<vmem>>
      %dma_wait3A_337 = tpu.memref_squeeze %dma_wait3A_336 : memref<1x104x64xf32, #tpu.memory_space<vmem>> -> memref<104x64xf32, #tpu.memory_space<vmem>>
      %dma_wait3A_338 = tpu.memref_slice %arg6[%mul3A_331] : memref<25600xi32, #tpu.memory_space<vmem>> -> memref<104xi32, #tpu.memory_space<vmem>>
      %dma_wait3A_339 = arith.constant 0 : i32
      %dma_wait3A_340 = arith.constant 0 : i32
      %dma_wait3A_341 = tpu.memref_slice %arg3[%dma_wait3A_339, %dma_wait3A_340] : memref<2000000x64xf32, #tpu.memory_space<hbm>> -> memref<2000000x64xf32, #tpu.memory_space<hbm>>
      %dma_wait3A_342 = tpu.memref_slice %arg9[%dma_wait3A_333] : memref<4x!tpu.dma_semaphore, #tpu.memory_space<semaphore_mem>> -> memref<1x!tpu.dma_semaphore, #tpu.memory_space<semaphore_mem>>
      %dma_wait3A_343 = tpu.memref_squeeze %dma_wait3A_342 : memref<1x!tpu.dma_semaphore, #tpu.memory_space<semaphore_mem>> -> memref<!tpu.dma_semaphore, #tpu.memory_space<semaphore_mem>>
      tpu.wait_indirect_dma semaphore(%dma_wait3A_343 : memref<!tpu.dma_semaphore, #tpu.memory_space<semaphore_mem>>) src(%dma_wait3A_341 : memref<2000000x64xf32, #tpu.memory_space<hbm>>) dst(%dma_wait3A_337 : memref<104x64xf32, #tpu.memory_space<vmem>>)
      %add3A_344 = arith.constant 104 : i32
      %add3A_345 = arith.addi %mul3A_331, %add3A_344 : i32
      %dma_wait3A_346 = arith.constant 3 : i32
      %dma_wait3A_347 = arith.constant 3 : i32
      %dma_wait3A_348 = arith.constant 104 : i32
      %dma_wait3A_349 = arith.constant 0 : i32
      %dma_wait3A_350 = tpu.memref_slice %arg8[%dma_wait3A_346, %dma_wait3A_348, %dma_wait3A_349] : memref<4x200x64xf32, #tpu.memory_space<vmem>> -> memref<1x96x64xf32, #tpu.memory_space<vmem>>
      %dma_wait3A_351 = tpu.memref_squeeze %dma_wait3A_350 : memref<1x96x64xf32, #tpu.memory_space<vmem>> -> memref<96x64xf32, #tpu.memory_space<vmem>>
      %dma_wait3A_352 = tpu.memref_slice %arg6[%add3A_345] : memref<25600xi32, #tpu.memory_space<vmem>> -> memref<96xi32, #tpu.memory_space<vmem>>
      %dma_wait3A_353 = arith.constant 0 : i32
      %dma_wait3A_354 = arith.constant 0 : i32
      %dma_wait3A_355 = tpu.memref_slice %arg3[%dma_wait3A_353, %dma_wait3A_354] : memref<2000000x64xf32, #tpu.memory_space<hbm>> -> memref<2000000x64xf32, #tpu.memory_space<hbm>>
      %dma_wait3A_356 = tpu.memref_slice %arg9[%dma_wait3A_347] : memref<4x!tpu.dma_semaphore, #tpu.memory_space<semaphore_mem>> -> memref<1x!tpu.dma_semaphore, #tpu.memory_space<semaphore_mem>>
      %dma_wait3A_357 = tpu.memref_squeeze %dma_wait3A_356 : memref<1x!tpu.dma_semaphore, #tpu.memory_space<semaphore_mem>> -> memref<!tpu.dma_semaphore, #tpu.memory_space<semaphore_mem>>
      tpu.wait_indirect_dma semaphore(%dma_wait3A_357 : memref<!tpu.dma_semaphore, #tpu.memory_space<semaphore_mem>>) src(%dma_wait3A_355 : memref<2000000x64xf32, #tpu.memory_space<hbm>>) dst(%dma_wait3A_351 : memref<96x64xf32, #tpu.memory_space<vmem>>)
      %scan3A_358 = arith.constant 0 : i32
      %scan3A_359 = arith.constant 200 : i32
      %scan3A_360 = arith.addi %scan3A_358, %scan3A_359 : i32
      %scan3A_361 = arith.constant 4 : i32
      scf.for %scan3A_386 = %scan3A_358 to %scan3A_360 step %scan3A_361  : i32 {
        %mul3A_387 = arith.constant 1 : i32
        %mul3A_388 = arith.muli %scan3A_386, %mul3A_387 : i32
        %add3A_389 = arith.constant 0 : i32
        %add3A_390 = arith.addi %add3A_389, %mul3A_388 : i32
        %get3A = arith.index_cast %add3A_390 : i32 to index
        %get3A_391 = arith.constant 0 : index
        %get3A_392 = tpu.vector_load %arg7[%get3A, %get3A_391] {strides = array<i32>} : memref<200x64xf32, #tpu.memory_space<vmem>>, vector<1x16xf32>,
        %get3A_393 = vector.shape_cast %get3A_392 : vector<1x16xf32> to vector<16xf32>
        %swap3A = arith.constant 3 : i32
        %swap3A_394 = arith.index_cast %swap3A : i32 to index
        %swap3A_395 = arith.index_cast %add3A_390 : i32 to index
        %swap3A_396 = arith.constant 0 : index
        %swap3A_397 = tpu.vector_load %arg8[%swap3A_394, %swap3A_395, %swap3A_396] {strides = array<i32>} : memref<4x200x64xf32, #tpu.memory_space<vmem>>, vector<1x1x16xf32>,
        %swap3A_398 = vector.shape_cast %swap3A_397 : vector<1x1x16xf32> to vector<16xf32>
        %swap3A_399 = vector.shape_cast %get3A_393 : vector<16xf32> to vector<1x1x16xf32>
        tpu.vector_store %arg8[%swap3A_394, %swap3A_395, %swap3A_396], %swap3A_399 {add = true, strides = array<i32>} : memref<4x200x64xf32, #tpu.memory_space<vmem>>, vector<1x1x16xf32>,
        %get3A_400 = arith.index_cast %add3A_390 : i32 to index
        %get3A_401 = arith.constant 16 : index
        %get3A_402 = tpu.vector_load %arg7[%get3A_400, %get3A_401] {strides = array<i32>} : memref<200x64xf32, #tpu.memory_space<vmem>>, vector<1x16xf32>,
        %get3A_403 = vector.shape_cast %get3A_402 : vector<1x16xf32> to vector<16xf32>
        %swap3A_404 = arith.constant 3 : i32
        %swap3A_405 = arith.index_cast %swap3A_404 : i32 to index
        %swap3A_406 = arith.index_cast %add3A_390 : i32 to index
        %swap3A_407 = arith.constant 16 : index
        %swap3A_408 = tpu.vector_load %arg8[%swap3A_405, %swap3A_406, %swap3A_407] {strides = array<i32>} : memref<4x200x64xf32, #tpu.memory_space<vmem>>, vector<1x1x16xf32>,
        %swap3A_409 = vector.shape_cast %swap3A_408 : vector<1x1x16xf32> to vector<16xf32>
        %swap3A_410 = vector.shape_cast %get3A_403 : vector<16xf32> to vector<1x1x16xf32>
        tpu.vector_store %arg8[%swap3A_405, %swap3A_406, %swap3A_407], %swap3A_410 {add = true, strides = array<i32>} : memref<4x200x64xf32, #tpu.memory_space<vmem>>, vector<1x1x16xf32>,
        %get3A_411 = arith.index_cast %add3A_390 : i32 to index
        %get3A_412 = arith.constant 32 : index
        %get3A_413 = tpu.vector_load %arg7[%get3A_411, %get3A_412] {strides = array<i32>} : memref<200x64xf32, #tpu.memory_space<vmem>>, vector<1x16xf32>,
        %get3A_414 = vector.shape_cast %get3A_413 : vector<1x16xf32> to vector<16xf32>
        %swap3A_415 = arith.constant 3 : i32
        %swap3A_416 = arith.index_cast %swap3A_415 : i32 to index
        %swap3A_417 = arith.index_cast %add3A_390 : i32 to index
        %swap3A_418 = arith.constant 32 : index
        %swap3A_419 = tpu.vector_load %arg8[%swap3A_416, %swap3A_417, %swap3A_418] {strides = array<i32>} : memref<4x200x64xf32, #tpu.memory_space<vmem>>, vector<1x1x16xf32>,
        %swap3A_420 = vector.shape_cast %swap3A_419 : vector<1x1x16xf32> to vector<16xf32>
        %swap3A_421 = vector.shape_cast %get3A_414 : vector<16xf32> to vector<1x1x16xf32>
        tpu.vector_store %arg8[%swap3A_416, %swap3A_417, %swap3A_418], %swap3A_421 {add = true, strides = array<i32>} : memref<4x200x64xf32, #tpu.memory_space<vmem>>, vector<1x1x16xf32>,
        %get3A_422 = arith.index_cast %add3A_390 : i32 to index
        %get3A_423 = arith.constant 48 : index
        %get3A_424 = tpu.vector_load %arg7[%get3A_422, %get3A_423] {strides = array<i32>} : memref<200x64xf32, #tpu.memory_space<vmem>>, vector<1x16xf32>,
        %get3A_425 = vector.shape_cast %get3A_424 : vector<1x16xf32> to vector<16xf32>
        %swap3A_426 = arith.constant 3 : i32
        %swap3A_427 = arith.index_cast %swap3A_426 : i32 to index
        %swap3A_428 = arith.index_cast %add3A_390 : i32 to index
        %swap3A_429 = arith.constant 48 : index
        %swap3A_430 = tpu.vector_load %arg8[%swap3A_427, %swap3A_428, %swap3A_429] {strides = array<i32>} : memref<4x200x64xf32, #tpu.memory_space<vmem>>, vector<1x1x16xf32>,
        %swap3A_431 = vector.shape_cast %swap3A_430 : vector<1x1x16xf32> to vector<16xf32>
        %swap3A_432 = vector.shape_cast %get3A_425 : vector<16xf32> to vector<1x1x16xf32>
        tpu.vector_store %arg8[%swap3A_427, %swap3A_428, %swap3A_429], %swap3A_432 {add = true, strides = array<i32>} : memref<4x200x64xf32, #tpu.memory_space<vmem>>, vector<1x1x16xf32>,
        %scan3A_433 = arith.constant 1 : i32
        %scan3A_434 = arith.addi %scan3A_386, %scan3A_433 : i32
        %mul3A_435 = arith.constant 1 : i32
        %mul3A_436 = arith.muli %scan3A_434, %mul3A_435 : i32
        %add3A_437 = arith.constant 0 : i32
        %add3A_438 = arith.addi %add3A_437, %mul3A_436 : i32
        %get3A_439 = arith.index_cast %add3A_438 : i32 to index
        %get3A_440 = arith.constant 0 : index
        %get3A_441 = tpu.vector_load %arg7[%get3A_439, %get3A_440] {strides = array<i32>} : memref<200x64xf32, #tpu.memory_space<vmem>>, vector<1x16xf32>,
        %get3A_442 = vector.shape_cast %get3A_441 : vector<1x16xf32> to vector<16xf32>
        %swap3A_443 = arith.constant 3 : i32
        %swap3A_444 = arith.index_cast %swap3A_443 : i32 to index
        %swap3A_445 = arith.index_cast %add3A_438 : i32 to index
        %swap3A_446 = arith.constant 0 : index
        %swap3A_447 = tpu.vector_load %arg8[%swap3A_444, %swap3A_445, %swap3A_446] {strides = array<i32>} : memref<4x200x64xf32, #tpu.memory_space<vmem>>, vector<1x1x16xf32>,
        %swap3A_448 = vector.shape_cast %swap3A_447 : vector<1x1x16xf32> to vector<16xf32>
        %swap3A_449 = vector.shape_cast %get3A_442 : vector<16xf32> to vector<1x1x16xf32>
        tpu.vector_store %arg8[%swap3A_444, %swap3A_445, %swap3A_446], %swap3A_449 {add = true, strides = array<i32>} : memref<4x200x64xf32, #tpu.memory_space<vmem>>, vector<1x1x16xf32>,
        %get3A_450 = arith.index_cast %add3A_438 : i32 to index
        %get3A_451 = arith.constant 16 : index
        %get3A_452 = tpu.vector_load %arg7[%get3A_450, %get3A_451] {strides = array<i32>} : memref<200x64xf32, #tpu.memory_space<vmem>>, vector<1x16xf32>,
        %get3A_453 = vector.shape_cast %get3A_452 : vector<1x16xf32> to vector<16xf32>
        %swap3A_454 = arith.constant 3 : i32
        %swap3A_455 = arith.index_cast %swap3A_454 : i32 to index
        %swap3A_456 = arith.index_cast %add3A_438 : i32 to index
        %swap3A_457 = arith.constant 16 : index
        %swap3A_458 = tpu.vector_load %arg8[%swap3A_455, %swap3A_456, %swap3A_457] {strides = array<i32>} : memref<4x200x64xf32, #tpu.memory_space<vmem>>, vector<1x1x16xf32>,
        %swap3A_459 = vector.shape_cast %swap3A_458 : vector<1x1x16xf32> to vector<16xf32>
        %swap3A_460 = vector.shape_cast %get3A_453 : vector<16xf32> to vector<1x1x16xf32>
        tpu.vector_store %arg8[%swap3A_455, %swap3A_456, %swap3A_457], %swap3A_460 {add = true, strides = array<i32>} : memref<4x200x64xf32, #tpu.memory_space<vmem>>, vector<1x1x16xf32>,
        %get3A_461 = arith.index_cast %add3A_438 : i32 to index
        %get3A_462 = arith.constant 32 : index
        %get3A_463 = tpu.vector_load %arg7[%get3A_461, %get3A_462] {strides = array<i32>} : memref<200x64xf32, #tpu.memory_space<vmem>>, vector<1x16xf32>,
        %get3A_464 = vector.shape_cast %get3A_463 : vector<1x16xf32> to vector<16xf32>
        %swap3A_465 = arith.constant 3 : i32
        %swap3A_466 = arith.index_cast %swap3A_465 : i32 to index
        %swap3A_467 = arith.index_cast %add3A_438 : i32 to index
        %swap3A_468 = arith.constant 32 : index
        %swap3A_469 = tpu.vector_load %arg8[%swap3A_466, %swap3A_467, %swap3A_468] {strides = array<i32>} : memref<4x200x64xf32, #tpu.memory_space<vmem>>, vector<1x1x16xf32>,
        %swap3A_470 = vector.shape_cast %swap3A_469 : vector<1x1x16xf32> to vector<16xf32>
        %swap3A_471 = vector.shape_cast %get3A_464 : vector<16xf32> to vector<1x1x16xf32>
        tpu.vector_store %arg8[%swap3A_466, %swap3A_467, %swap3A_468], %swap3A_471 {add = true, strides = array<i32>} : memref<4x200x64xf32, #tpu.memory_space<vmem>>, vector<1x1x16xf32>,
        %get3A_472 = arith.index_cast %add3A_438 : i32 to index
        %get3A_473 = arith.constant 48 : index
        %get3A_474 = tpu.vector_load %arg7[%get3A_472, %get3A_473] {strides = array<i32>} : memref<200x64xf32, #tpu.memory_space<vmem>>, vector<1x16xf32>,
        %get3A_475 = vector.shape_cast %get3A_474 : vector<1x16xf32> to vector<16xf32>
        %swap3A_476 = arith.constant 3 : i32
        %swap3A_477 = arith.index_cast %swap3A_476 : i32 to index
        %swap3A_478 = arith.index_cast %add3A_438 : i32 to index
        %swap3A_479 = arith.constant 48 : index
        %swap3A_480 = tpu.vector_load %arg8[%swap3A_477, %swap3A_478, %swap3A_479] {strides = array<i32>} : memref<4x200x64xf32, #tpu.memory_space<vmem>>, vector<1x1x16xf32>,
        %swap3A_481 = vector.shape_cast %swap3A_480 : vector<1x1x16xf32> to vector<16xf32>
        %swap3A_482 = vector.shape_cast %get3A_475 : vector<16xf32> to vector<1x1x16xf32>
        tpu.vector_store %arg8[%swap3A_477, %swap3A_478, %swap3A_479], %swap3A_482 {add = true, strides = array<i32>} : memref<4x200x64xf32, #tpu.memory_space<vmem>>, vector<1x1x16xf32>,
        %scan3A_483 = arith.constant 2 : i32
        %scan3A_484 = arith.addi %scan3A_386, %scan3A_483 : i32
        %mul3A_485 = arith.constant 1 : i32
        %mul3A_486 = arith.muli %scan3A_484, %mul3A_485 : i32
        %add3A_487 = arith.constant 0 : i32
        %add3A_488 = arith.addi %add3A_487, %mul3A_486 : i32
        %get3A_489 = arith.index_cast %add3A_488 : i32 to index
        %get3A_490 = arith.constant 0 : index
        %get3A_491 = tpu.vector_load %arg7[%get3A_489, %get3A_490] {strides = array<i32>} : memref<200x64xf32, #tpu.memory_space<vmem>>, vector<1x16xf32>,
        %get3A_492 = vector.shape_cast %get3A_491 : vector<1x16xf32> to vector<16xf32>
        %swap3A_493 = arith.constant 3 : i32
        %swap3A_494 = arith.index_cast %swap3A_493 : i32 to index
        %swap3A_495 = arith.index_cast %add3A_488 : i32 to index
        %swap3A_496 = arith.constant 0 : index
        %swap3A_497 = tpu.vector_load %arg8[%swap3A_494, %swap3A_495, %swap3A_496] {strides = array<i32>} : memref<4x200x64xf32, #tpu.memory_space<vmem>>, vector<1x1x16xf32>,
        %swap3A_498 = vector.shape_cast %swap3A_497 : vector<1x1x16xf32> to vector<16xf32>
        %swap3A_499 = vector.shape_cast %get3A_492 : vector<16xf32> to vector<1x1x16xf32>
        tpu.vector_store %arg8[%swap3A_494, %swap3A_495, %swap3A_496], %swap3A_499 {add = true, strides = array<i32>} : memref<4x200x64xf32, #tpu.memory_space<vmem>>, vector<1x1x16xf32>,
        %get3A_500 = arith.index_cast %add3A_488 : i32 to index
        %get3A_501 = arith.constant 16 : index
        %get3A_502 = tpu.vector_load %arg7[%get3A_500, %get3A_501] {strides = array<i32>} : memref<200x64xf32, #tpu.memory_space<vmem>>, vector<1x16xf32>,
        %get3A_503 = vector.shape_cast %get3A_502 : vector<1x16xf32> to vector<16xf32>
        %swap3A_504 = arith.constant 3 : i32
        %swap3A_505 = arith.index_cast %swap3A_504 : i32 to index
        %swap3A_506 = arith.index_cast %add3A_488 : i32 to index
        %swap3A_507 = arith.constant 16 : index
        %swap3A_508 = tpu.vector_load %arg8[%swap3A_505, %swap3A_506, %swap3A_507] {strides = array<i32>} : memref<4x200x64xf32, #tpu.memory_space<vmem>>, vector<1x1x16xf32>,
        %swap3A_509 = vector.shape_cast %swap3A_508 : vector<1x1x16xf32> to vector<16xf32>
        %swap3A_510 = vector.shape_cast %get3A_503 : vector<16xf32> to vector<1x1x16xf32>
        tpu.vector_store %arg8[%swap3A_505, %swap3A_506, %swap3A_507], %swap3A_510 {add = true, strides = array<i32>} : memref<4x200x64xf32, #tpu.memory_space<vmem>>, vector<1x1x16xf32>,
        %get3A_511 = arith.index_cast %add3A_488 : i32 to index
        %get3A_512 = arith.constant 32 : index
        %get3A_513 = tpu.vector_load %arg7[%get3A_511, %get3A_512] {strides = array<i32>} : memref<200x64xf32, #tpu.memory_space<vmem>>, vector<1x16xf32>,
        %get3A_514 = vector.shape_cast %get3A_513 : vector<1x16xf32> to vector<16xf32>
        %swap3A_515 = arith.constant 3 : i32
        %swap3A_516 = arith.index_cast %swap3A_515 : i32 to index
        %swap3A_517 = arith.index_cast %add3A_488 : i32 to index
        %swap3A_518 = arith.constant 32 : index
        %swap3A_519 = tpu.vector_load %arg8[%swap3A_516, %swap3A_517, %swap3A_518] {strides = array<i32>} : memref<4x200x64xf32, #tpu.memory_space<vmem>>, vector<1x1x16xf32>,
        %swap3A_520 = vector.shape_cast %swap3A_519 : vector<1x1x16xf32> to vector<16xf32>
        %swap3A_521 = vector.shape_cast %get3A_514 : vector<16xf32> to vector<1x1x16xf32>
        tpu.vector_store %arg8[%swap3A_516, %swap3A_517, %swap3A_518], %swap3A_521 {add = true, strides = array<i32>} : memref<4x200x64xf32, #tpu.memory_space<vmem>>, vector<1x1x16xf32>,
        %get3A_522 = arith.index_cast %add3A_488 : i32 to index
        %get3A_523 = arith.constant 48 : index
        %get3A_524 = tpu.vector_load %arg7[%get3A_522, %get3A_523] {strides = array<i32>} : memref<200x64xf32, #tpu.memory_space<vmem>>, vector<1x16xf32>,
        %get3A_525 = vector.shape_cast %get3A_524 : vector<1x16xf32> to vector<16xf32>
        %swap3A_526 = arith.constant 3 : i32
        %swap3A_527 = arith.index_cast %swap3A_526 : i32 to index
        %swap3A_528 = arith.index_cast %add3A_488 : i32 to index
        %swap3A_529 = arith.constant 48 : index
        %swap3A_530 = tpu.vector_load %arg8[%swap3A_527, %swap3A_528, %swap3A_529] {strides = array<i32>} : memref<4x200x64xf32, #tpu.memory_space<vmem>>, vector<1x1x16xf32>,
        %swap3A_531 = vector.shape_cast %swap3A_530 : vector<1x1x16xf32> to vector<16xf32>
        %swap3A_532 = vector.shape_cast %get3A_525 : vector<16xf32> to vector<1x1x16xf32>
        tpu.vector_store %arg8[%swap3A_527, %swap3A_528, %swap3A_529], %swap3A_532 {add = true, strides = array<i32>} : memref<4x200x64xf32, #tpu.memory_space<vmem>>, vector<1x1x16xf32>,
        %scan3A_533 = arith.constant 3 : i32
        %scan3A_534 = arith.addi %scan3A_386, %scan3A_533 : i32
        %mul3A_535 = arith.constant 1 : i32
        %mul3A_536 = arith.muli %scan3A_534, %mul3A_535 : i32
        %add3A_537 = arith.constant 0 : i32
        %add3A_538 = arith.addi %add3A_537, %mul3A_536 : i32
        %get3A_539 = arith.index_cast %add3A_538 : i32 to index
        %get3A_540 = arith.constant 0 : index
        %get3A_541 = tpu.vector_load %arg7[%get3A_539, %get3A_540] {strides = array<i32>} : memref<200x64xf32, #tpu.memory_space<vmem>>, vector<1x16xf32>,
        %get3A_542 = vector.shape_cast %get3A_541 : vector<1x16xf32> to vector<16xf32>
        %swap3A_543 = arith.constant 3 : i32
        %swap3A_544 = arith.index_cast %swap3A_543 : i32 to index
        %swap3A_545 = arith.index_cast %add3A_538 : i32 to index
        %swap3A_546 = arith.constant 0 : index
        %swap3A_547 = tpu.vector_load %arg8[%swap3A_544, %swap3A_545, %swap3A_546] {strides = array<i32>} : memref<4x200x64xf32, #tpu.memory_space<vmem>>, vector<1x1x16xf32>,
        %swap3A_548 = vector.shape_cast %swap3A_547 : vector<1x1x16xf32> to vector<16xf32>
        %swap3A_549 = vector.shape_cast %get3A_542 : vector<16xf32> to vector<1x1x16xf32>
        tpu.vector_store %arg8[%swap3A_544, %swap3A_545, %swap3A_546], %swap3A_549 {add = true, strides = array<i32>} : memref<4x200x64xf32, #tpu.memory_space<vmem>>, vector<1x1x16xf32>,
        %get3A_550 = arith.index_cast %add3A_538 : i32 to index
        %get3A_551 = arith.constant 16 : index
        %get3A_552 = tpu.vector_load %arg7[%get3A_550, %get3A_551] {strides = array<i32>} : memref<200x64xf32, #tpu.memory_space<vmem>>, vector<1x16xf32>,
        %get3A_553 = vector.shape_cast %get3A_552 : vector<1x16xf32> to vector<16xf32>
        %swap3A_554 = arith.constant 3 : i32
        %swap3A_555 = arith.index_cast %swap3A_554 : i32 to index
        %swap3A_556 = arith.index_cast %add3A_538 : i32 to index
        %swap3A_557 = arith.constant 16 : index
        %swap3A_558 = tpu.vector_load %arg8[%swap3A_555, %swap3A_556, %swap3A_557] {strides = array<i32>} : memref<4x200x64xf32, #tpu.memory_space<vmem>>, vector<1x1x16xf32>,
        %swap3A_559 = vector.shape_cast %swap3A_558 : vector<1x1x16xf32> to vector<16xf32>
        %swap3A_560 = vector.shape_cast %get3A_553 : vector<16xf32> to vector<1x1x16xf32>
        tpu.vector_store %arg8[%swap3A_555, %swap3A_556, %swap3A_557], %swap3A_560 {add = true, strides = array<i32>} : memref<4x200x64xf32, #tpu.memory_space<vmem>>, vector<1x1x16xf32>,
        %get3A_561 = arith.index_cast %add3A_538 : i32 to index
        %get3A_562 = arith.constant 32 : index
        %get3A_563 = tpu.vector_load %arg7[%get3A_561, %get3A_562] {strides = array<i32>} : memref<200x64xf32, #tpu.memory_space<vmem>>, vector<1x16xf32>,
        %get3A_564 = vector.shape_cast %get3A_563 : vector<1x16xf32> to vector<16xf32>
        %swap3A_565 = arith.constant 3 : i32
        %swap3A_566 = arith.index_cast %swap3A_565 : i32 to index
        %swap3A_567 = arith.index_cast %add3A_538 : i32 to index
        %swap3A_568 = arith.constant 32 : index
        %swap3A_569 = tpu.vector_load %arg8[%swap3A_566, %swap3A_567, %swap3A_568] {strides = array<i32>} : memref<4x200x64xf32, #tpu.memory_space<vmem>>, vector<1x1x16xf32>,
        %swap3A_570 = vector.shape_cast %swap3A_569 : vector<1x1x16xf32> to vector<16xf32>
        %swap3A_571 = vector.shape_cast %get3A_564 : vector<16xf32> to vector<1x1x16xf32>
        tpu.vector_store %arg8[%swap3A_566, %swap3A_567, %swap3A_568], %swap3A_571 {add = true, strides = array<i32>} : memref<4x200x64xf32, #tpu.memory_space<vmem>>, vector<1x1x16xf32>,
        %get3A_572 = arith.index_cast %add3A_538 : i32 to index
        %get3A_573 = arith.constant 48 : index
        %get3A_574 = tpu.vector_load %arg7[%get3A_572, %get3A_573] {strides = array<i32>} : memref<200x64xf32, #tpu.memory_space<vmem>>, vector<1x16xf32>,
        %get3A_575 = vector.shape_cast %get3A_574 : vector<1x16xf32> to vector<16xf32>
        %swap3A_576 = arith.constant 3 : i32
        %swap3A_577 = arith.index_cast %swap3A_576 : i32 to index
        %swap3A_578 = arith.index_cast %add3A_538 : i32 to index
        %swap3A_579 = arith.constant 48 : index
        %swap3A_580 = tpu.vector_load %arg8[%swap3A_577, %swap3A_578, %swap3A_579] {strides = array<i32>} : memref<4x200x64xf32, #tpu.memory_space<vmem>>, vector<1x1x16xf32>,
        %swap3A_581 = vector.shape_cast %swap3A_580 : vector<1x1x16xf32> to vector<16xf32>
        %swap3A_582 = vector.shape_cast %get3A_575 : vector<16xf32> to vector<1x1x16xf32>
        tpu.vector_store %arg8[%swap3A_577, %swap3A_578, %swap3A_579], %swap3A_582 {add = true, strides = array<i32>} : memref<4x200x64xf32, #tpu.memory_space<vmem>>, vector<1x1x16xf32>,
      }
      %scan3A_362 = arith.constant 200 : i32
      %mul3A_363 = arith.constant 128 : i32
      %mul3A_364 = arith.muli %add3A, %mul3A_363 : i32
      %add3A_365 = arith.addi %mul3A_364, %add3A_317 : i32
      %dma_start3A_366 = arith.constant 3 : i32
      %dma_start3A_367 = arith.constant 3 : i32
      %dma_start3A_368 = arith.constant 0 : i32
      %dma_start3A_369 = arith.constant 0 : i32
      %dma_start3A_370 = tpu.memref_slice %arg8[%dma_start3A_366, %dma_start3A_368, %dma_start3A_369] : memref<4x200x64xf32, #tpu.memory_space<vmem>> -> memref<1x200x64xf32, #tpu.memory_space<vmem>>
      %dma_start3A_371 = tpu.memref_squeeze %dma_start3A_370 : memref<1x200x64xf32, #tpu.memory_space<vmem>> -> memref<200x64xf32, #tpu.memory_space<vmem>>
      %dma_start3A_372 = arith.constant 0 : i32
      %dma_start3A_373 = arith.constant 0 : i32
      %dma_start3A_374 = tpu.memref_slice %arg5[%add3A_365, %dma_start3A_372, %dma_start3A_373] : memref<4096x200x128xf32, #tpu.memory_space<hbm>> -> memref<1x200x64xf32, #tpu.memory_space<hbm>>
      %dma_start3A_375 = tpu.memref_squeeze %dma_start3A_374 : memref<1x200x64xf32, #tpu.memory_space<hbm>> -> memref<200x64xf32, #tpu.memory_space<hbm>>
      %dma_start3A_376 = tpu.memref_slice %arg10[%dma_start3A_367] : memref<4x!tpu.dma_semaphore, #tpu.memory_space<semaphore_mem>> -> memref<1x!tpu.dma_semaphore, #tpu.memory_space<semaphore_mem>>
      %dma_start3A_377 = tpu.memref_squeeze %dma_start3A_376 : memref<1x!tpu.dma_semaphore, #tpu.memory_space<semaphore_mem>> -> memref<!tpu.dma_semaphore, #tpu.memory_space<semaphore_mem>>
      %dma_start3A_378 = arith.constant 0 : i32
      %dma_start3A_379 = arith.constant 0 : i32
      %dma_start3A_380 = tpu.memref_slice %arg5[%add3A_365, %dma_start3A_378, %dma_start3A_379] : memref<4096x200x128xf32, #tpu.memory_space<hbm>> -> memref<1x200x64xf32, #tpu.memory_space<hbm>>
      %dma_start3A_381 = tpu.memref_squeeze %dma_start3A_380 : memref<1x200x64xf32, #tpu.memory_space<hbm>> -> memref<200x64xf32, #tpu.memory_space<hbm>>
      %dma_start3A_382 = arith.constant 0 : i32
      %dma_start3A_383 = arith.constant 0 : i32
      %dma_start3A_384 = tpu.memref_slice %arg8[%dma_start3A_366, %dma_start3A_382, %dma_start3A_383] : memref<4x200x64xf32, #tpu.memory_space<vmem>> -> memref<1x200x64xf32, #tpu.memory_space<vmem>>
      %dma_start3A_385 = tpu.memref_squeeze %dma_start3A_384 : memref<1x200x64xf32, #tpu.memory_space<vmem>> -> memref<200x64xf32, #tpu.memory_space<vmem>>
      tpu.enqueue_dma source(%dma_start3A_385 : memref<200x64xf32, #tpu.memory_space<vmem>>) target(%dma_start3A_381 : memref<200x64xf32, #tpu.memory_space<hbm>>) target_semaphore(%dma_start3A_377 : memref<!tpu.dma_semaphore, #tpu.memory_space<semaphore_mem>>)
    }
    %scan3A_57 = arith.constant 32 : i32
    %mul3A_58 = arith.constant 128 : i32
    %mul3A_59 = arith.muli %add3A, %mul3A_58 : i32
    %add3A_60 = arith.constant 126 : i32
    %add3A_61 = arith.addi %mul3A_59, %add3A_60 : i32
    %dma_wait3A = arith.constant 2 : i32
    %dma_wait3A_62 = arith.constant 2 : i32
    %dma_wait3A_63 = arith.constant 0 : i32
    %dma_wait3A_64 = arith.constant 0 : i32
    %dma_wait3A_65 = tpu.memref_slice %arg8[%dma_wait3A, %dma_wait3A_63, %dma_wait3A_64] : memref<4x200x64xf32, #tpu.memory_space<vmem>> -> memref<1x200x64xf32, #tpu.memory_space<vmem>>
    %dma_wait3A_66 = tpu.memref_squeeze %dma_wait3A_65 : memref<1x200x64xf32, #tpu.memory_space<vmem>> -> memref<200x64xf32, #tpu.memory_space<vmem>>
    %dma_wait3A_67 = arith.constant 0 : i32
    %dma_wait3A_68 = arith.constant 0 : i32
    %dma_wait3A_69 = tpu.memref_slice %arg5[%add3A_61, %dma_wait3A_67, %dma_wait3A_68] : memref<4096x200x128xf32, #tpu.memory_space<hbm>> -> memref<1x200x64xf32, #tpu.memory_space<hbm>>
    %dma_wait3A_70 = tpu.memref_squeeze %dma_wait3A_69 : memref<1x200x64xf32, #tpu.memory_space<hbm>> -> memref<200x64xf32, #tpu.memory_space<hbm>>
    %dma_wait3A_71 = tpu.memref_slice %arg10[%dma_wait3A_62] : memref<4x!tpu.dma_semaphore, #tpu.memory_space<semaphore_mem>> -> memref<1x!tpu.dma_semaphore, #tpu.memory_space<semaphore_mem>>
    %dma_wait3A_72 = tpu.memref_squeeze %dma_wait3A_71 : memref<1x!tpu.dma_semaphore, #tpu.memory_space<semaphore_mem>> -> memref<!tpu.dma_semaphore, #tpu.memory_space<semaphore_mem>>
    %dma_wait3A_73 = arith.constant 0 : i32
    %dma_wait3A_74 = arith.constant 0 : i32
    %dma_wait3A_75 = tpu.memref_slice %arg5[%add3A_61, %dma_wait3A_73, %dma_wait3A_74] : memref<4096x200x128xf32, #tpu.memory_space<hbm>> -> memref<1x200x64xf32, #tpu.memory_space<hbm>>
    %dma_wait3A_76 = tpu.memref_squeeze %dma_wait3A_75 : memref<1x200x64xf32, #tpu.memory_space<hbm>> -> memref<200x64xf32, #tpu.memory_space<hbm>>
    %dma_wait3A_77 = arith.constant 0 : i32
    %dma_wait3A_78 = arith.constant 0 : i32
    %dma_wait3A_79 = tpu.memref_slice %arg8[%dma_wait3A, %dma_wait3A_77, %dma_wait3A_78] : memref<4x200x64xf32, #tpu.memory_space<vmem>> -> memref<1x200x64xf32, #tpu.memory_space<vmem>>
    %dma_wait3A_80 = tpu.memref_squeeze %dma_wait3A_79 : memref<1x200x64xf32, #tpu.memory_space<vmem>> -> memref<200x64xf32, #tpu.memory_space<vmem>>
    tpu.wait_dma2 semaphore(%dma_wait3A_72 : memref<!tpu.dma_semaphore, #tpu.memory_space<semaphore_mem>>) src(%dma_wait3A_80 : memref<200x64xf32, #tpu.memory_space<vmem>>) dst(%dma_wait3A_76 : memref<200x64xf32, #tpu.memory_space<hbm>>)
    %mul3A_81 = arith.constant 128 : i32
    %mul3A_82 = arith.muli %add3A, %mul3A_81 : i32
    %add3A_83 = arith.constant 127 : i32
    %add3A_84 = arith.addi %mul3A_82, %add3A_83 : i32
    %dma_wait3A_85 = arith.constant 3 : i32
    %dma_wait3A_86 = arith.constant 3 : i32
    %dma_wait3A_87 = arith.constant 0 : i32
    %dma_wait3A_88 = arith.constant 0 : i32
    %dma_wait3A_89 = tpu.memref_slice %arg8[%dma_wait3A_85, %dma_wait3A_87, %dma_wait3A_88] : memref<4x200x64xf32, #tpu.memory_space<vmem>> -> memref<1x200x64xf32, #tpu.memory_space<vmem>>
    %dma_wait3A_90 = tpu.memref_squeeze %dma_wait3A_89 : memref<1x200x64xf32, #tpu.memory_space<vmem>> -> memref<200x64xf32, #tpu.memory_space<vmem>>
    %dma_wait3A_91 = arith.constant 0 : i32
    %dma_wait3A_92 = arith.constant 0 : i32
    %dma_wait3A_93 = tpu.memref_slice %arg5[%add3A_84, %dma_wait3A_91, %dma_wait3A_92] : memref<4096x200x128xf32, #tpu.memory_space<hbm>> -> memref<1x200x64xf32, #tpu.memory_space<hbm>>
    %dma_wait3A_94 = tpu.memref_squeeze %dma_wait3A_93 : memref<1x200x64xf32, #tpu.memory_space<hbm>> -> memref<200x64xf32, #tpu.memory_space<hbm>>
    %dma_wait3A_95 = tpu.memref_slice %arg10[%dma_wait3A_86] : memref<4x!tpu.dma_semaphore, #tpu.memory_space<semaphore_mem>> -> memref<1x!tpu.dma_semaphore, #tpu.memory_space<semaphore_mem>>
    %dma_wait3A_96 = tpu.memref_squeeze %dma_wait3A_95 : memref<1x!tpu.dma_semaphore, #tpu.memory_space<semaphore_mem>> -> memref<!tpu.dma_semaphore, #tpu.memory_space<semaphore_mem>>
    %dma_wait3A_97 = arith.constant 0 : i32
    %dma_wait3A_98 = arith.constant 0 : i32
    %dma_wait3A_99 = tpu.memref_slice %arg5[%add3A_84, %dma_wait3A_97, %dma_wait3A_98] : memref<4096x200x128xf32, #tpu.memory_space<hbm>> -> memref<1x200x64xf32, #tpu.memory_space<hbm>>
    %dma_wait3A_100 = tpu.memref_squeeze %dma_wait3A_99 : memref<1x200x64xf32, #tpu.memory_space<hbm>> -> memref<200x64xf32, #tpu.memory_space<hbm>>
    %dma_wait3A_101 = arith.constant 0 : i32
    %dma_wait3A_102 = arith.constant 0 : i32
    %dma_wait3A_103 = tpu.memref_slice %arg8[%dma_wait3A_85, %dma_wait3A_101, %dma_wait3A_102] : memref<4x200x64xf32, #tpu.memory_space<vmem>> -> memref<1x200x64xf32, #tpu.memory_space<vmem>>
    %dma_wait3A_104 = tpu.memref_squeeze %dma_wait3A_103 : memref<1x200x64xf32, #tpu.memory_space<vmem>> -> memref<200x64xf32, #tpu.memory_space<vmem>>
    tpu.wait_dma2 semaphore(%dma_wait3A_96 : memref<!tpu.dma_semaphore, #tpu.memory_space<semaphore_mem>>) src(%dma_wait3A_104 : memref<200x64xf32, #tpu.memory_space<vmem>>) dst(%dma_wait3A_100 : memref<200x64xf32, #tpu.memory_space<hbm>>)
    return
  }
}

</mosaic_0001>

<sc_bundles>
// kernel: _run.3.cloned.1.call-start
scs
__scs_entry_jumppad:
0x0: {  	(pc) =	sbr.rel $0x88, $3  }
0x1: {  	(tag) =	ssettag $0x0;
	lr =	simm.s32 $0x1  }
0x2: {  	[smem:$0x3F9E] =	sst lr;
	_ =	strace $0xD0000000  }
0x3: {  	_ = 	snop  }
0x4: {  	_ = 	snop  }
0x5: {  	_ = 	snop  }
0x6: {  	_ = 	snop  }
0x7: {  	_ = 	snop  }
__scs_overlays_trampoline_lowered:
0x8: {  	[smem:$0x3FAD] =	sst s0  }
0x9: {  	[smem:$0x3FAE] =	sst s1  }
0xa: {  	[smem:$0x3FAF] =	sst s2  }
0xb: {  	[smem:$0x3FB0] =	sst s3  }
0xc: {  	[smem:$0x3FB1] =	sst s4  }
0xd: {  	[smem:$0x3FB2] =	sst s5  }
0xe: {  	[smem:$0x3FB3] =	sst s6  }
0xf: {  	[smem:$0x3FB4] =	sst s7  }
0x10: {  	[smem:$0x3FB5] =	sst s8  }
0x11: {  	[smem:$0x3FB6] =	sst s9;
	s0 =	simm.s32 @!p0 $0x0  }
0x12: {  	s1 =	sld [smem:$0x3F9C];
	s0 =	simm.s32 @p0 $0x1  }
0x13: {  	[smem:$0x3FB7] =	sst s0;
	s0 =	simm.s32 @!p1 $0x0  }
0x14: {  	s2 =	sld [smem:$0x3F9B];
	s0 =	simm.s32 @p1 $0x1  }
0x15: {  	[smem:$0x3FB8] =	sst s0;
	s0 =	simm.s32 @!p2 $0x0  }
0x16: {  	s3 =	sld [smem:$0x3FDB];
	s0 =	simm.s32 @p2 $0x1  }
0x17: {  	s4 =	simm.s32 $0x1BF5;
	[smem:$0x3FBA] =	sst s0  }
0x18: {  	s0 =	sld [smem:$0x3F9D];
	_ =	swait.ge [sflag:s4], $0x0  }
0x19: {  	s7 =	sld [smem:$0x3F9E]  }
0x1a: {  	s8 =	sadd.s32 $0xFFFFE003, lr  }
0x1b: {  	s9 =	sadd.s32 $0xFFFFFEF7, lr;
	s5 =	simm.s32 $0xFFFFFFFF;
	p2 =	slt.u32 s8, $0xFFFFF086  }
0x1c: {  	p1 =	slt.u32 s9, $0xF7A;
	s5 =	simm.s32 @!p2 $0x0  }
0x1d: {  	s5 =	simm.s32 @p1 $0x1;
	p0 =	seq.s32 s7, s2  }
0x1e: {  	s7 =	smul.u32 @!p0 $0xF7A, s2;
	p2 =	seq.s32 @!p0 s5, $0x0  }
0x1f: {  	s9 =	smul.u32 $0xF7A, s1;
	s8 =	simm.s32 @!p0 $0x1BF5;
	p2 =	por !p2, p0  }
0x20: {  	[sflag:s8] =	ssyncset.s32 @!p0 $0xFFFFF086;
	s6 =	sadd.s32 @!p0 s3, s7;
	s7 =	simm.s32 @!p0 $0x108  }
0x21: {  	s3 =	sadd.s32 s3, s9;
	s6 =	sadd.s32 @!p0 $0x88, s6;
	s7 =	simm.s32 @p2 $0x1082  }
0x22: {  	[simem:s7], [sflag:s8] =	dma.local @!p0 [hbm:s6], $0xF7A  }
0x23: {  	s9 =	sor.u32 $0xD0000000, s2;
	s6 =	simm.s32 $0x108;
	_ =	swait.ge @!p0 [sflag:s8], $0x0  }
0x24: {  	s3 =	sadd.s32 $0x88, s3;
	s6 =	simm.s32 @!p1 $0x1082;
	[sflag:s4] =	ssyncset.s32 $0xFFFFF086  }
0x25: {  	[simem:s6], [sflag:s4] =	dma.local [hbm:s3], $0xF7A  }
0x26: {  	[smem:$0x3F9E] =	sst s1;
	(tag) =	ssettag s2;
	_ =	strace s9  }
0x27: {  	s1 =	sld [smem:$0x3FAE]  }
0x28: {  	s2 =	sld [smem:$0x3FAF]  }
0x29: {  	s4 =	sld [smem:$0x3FB1]  }
0x2a: {  	p0 =	seq.s32 s5, $0x0;
	s5 =	sld [smem:$0x3FB2]  }
0x2b: {  	s6 =	sld [smem:$0x3FB3]  }
0x2c: {  	s7 =	sld [smem:$0x3FB4]  }
0x2d: {  	s3 =	simm.s32 $0x108;
	s8 =	sld [smem:$0x3FB5]  }
0x2e: {  	s3 =	simm.s32 @!p0 $0x1082;
	s9 =	sld [smem:$0x3FB6]  }
0x2f: {  	lr =	sadd.s32 s0, s3;
	s0 =	sld [smem:$0x3FAD]  }
0x30: {  	s3 =	sld [smem:$0x3FB0]  }
0x31: {  	[smem:$0x3FB9] =	sst s10  }
0x32: {  	s10 =	sld [smem:$0x3FB7];
	_ =	sdelay $0x3  }
0x33: {  	p0 =	seq.s32 s10, $0x1;
	s10 =	sld [smem:$0x3FB9];
	_ =	sdelay $0x3  }
0x34: {  	[smem:$0x3FB9] =	sst s10  }
0x35: {  	s10 =	sld [smem:$0x3FB8];
	_ =	sdelay $0x3  }
0x36: {  	p1 =	seq.s32 s10, $0x1;
	s10 =	sld [smem:$0x3FB9];
	_ =	sdelay $0x3  }
0x37: {  	[smem:$0x3FB9] =	sst s10  }
0x38: {  	s10 =	sld [smem:$0x3FBA]  }
0x39: {  	_ = 	snop;
	(pc) =	sbr.ind lr, $3  }
0x3a: {  	_ = 	snop  }
0x3b: {  	_ = 	snop  }
0x3c: {  	p2 =	seq.s32 s10, $0x1;
	s10 =	sld [smem:$0x3FB9]  }
0x3d: {  	_ =	shalt  }
0x3e: {  	_ =	shalt  }
0x3f: {  	_ =	shalt  }
0x40: {  	_ =	shalt  }
0x41: {  	_ =	shalt  }
0x42: {  	_ =	shalt  }
0x43: {  	_ =	shalt  }
0x44: {  	_ =	shalt  }
0x45: {  	_ =	shalt  }
0x46: {  	_ =	shalt  }
0x47: {  	_ =	shalt  }
0x48: {  	_ =	shalt  }
0x49: {  	_ =	shalt  }
0x4a: {  	_ =	shalt  }
0x4b: {  	_ =	shalt  }
0x4c: {  	_ =	shalt  }
0x4d: {  	_ =	shalt  }
0x4e: {  	_ =	shalt  }
0x4f: {  	_ =	shalt  }
0x50: {  	_ =	shalt  }
0x51: {  	_ =	shalt  }
0x52: {  	_ =	shalt  }
0x53: {  	_ =	shalt  }
0x54: {  	_ =	shalt  }
0x55: {  	_ =	shalt  }
0x56: {  	_ =	shalt  }
0x57: {  	_ =	shalt  }
0x58: {  	_ =	shalt  }
0x59: {  	_ =	shalt  }
0x5a: {  	_ =	shalt  }
0x5b: {  	_ =	shalt  }
0x5c: {  	_ =	shalt  }
0x5d: {  	_ =	shalt  }
0x5e: {  	_ =	shalt  }
0x5f: {  	_ =	shalt  }
0x60: {  	_ =	shalt  }
0x61: {  	_ =	shalt  }
0x62: {  	_ =	shalt  }
0x63: {  	_ =	shalt  }
0x64: {  	_ =	shalt  }
0x65: {  	_ =	shalt  }
0x66: {  	_ =	shalt  }
0x67: {  	_ =	shalt  }
0x68: {  	_ =	shalt  }
0x69: {  	_ =	shalt  }
0x6a: {  	_ =	shalt  }
0x6b: {  	_ =	shalt  }
0x6c: {  	_ =	shalt  }
0x6d: {  	_ =	shalt  }
0x6e: {  	_ =	shalt  }
0x6f: {  	_ =	shalt  }
0x70: {  	_ =	shalt  }
0x71: {  	_ =	shalt  }
0x72: {  	_ =	shalt  }
0x73: {  	_ =	shalt  }
0x74: {  	_ =	shalt  }
0x75: {  	_ =	shalt  }
0x76: {  	_ =	shalt  }
0x77: {  	_ =	shalt  }
0x78: {  	_ =	shalt  }
0x79: {  	_ =	shalt  }
0x7a: {  	_ =	shalt  }
0x7b: {  	_ =	shalt  }
0x7c: {  	_ =	shalt  }
0x7d: {  	_ =	shalt  }
0x7e: {  	_ =	shalt  }
0x7f: {  	_ =	shalt  }
0x80: {  	_ =	shalt  }
0x81: {  	_ =	shalt  }
0x82: {  	_ =	shalt  }
0x83: {  	_ =	shalt  }
0x84: {  	_ =	shalt  }
0x85: {  	_ =	shalt  }
0x86: {  	_ =	shalt  }
0x87: {  	_ =	shalt  }
.Lfunc_end0:
.L_simem_size_0:
called_computation_lowered:
.L_overlay_start_0:
0x88: {  	s2 =	sld [smem:$0x3FD9]  }
0x89: {  	s3 =	sld [smem:$0x3FFE];
	_ =	sdelay $0x1  }
0x8a: {  	s1 =	srdreg.scid  }
0x8b: {  	s0 =	sand.u32 $0x1, s1  }
0x8c: {  	s17 =	sshll.u32 s0, $0xA;
	s2 =	sadd.s32 s3, s2  }
0x8d: {  	s2 =	sadd.s32 s2, s17  }
0x8e: {  	[smem:$0x3FC5] =	sst s2  }
0x8f: {  	_ = 	snop  }
0x90: {  	s2 =	sld [smem:$0x3FC9]  }
0x91: {  	s18 =	sld [smem:$0x3FD0];
	(tm) =	ssettm $0x1  }
0x92: {  	s4 =	sld [smem:$0x3FFB];
	_ =	sdelay $0x3  }
0x93: {  	_ =	strace s4  }
0x94: {  	s4 =	sld [smem:$0x3FFC];
	_ =	sdelay $0x3  }
0x95: {  	_ =	strace s4  }
0x96: {  	s4 =	sld [smem:$0x3FFD];
	_ =	sdelay $0x3  }
0x97: {  	_ =	strace s4  }
0x98: {  	_ =	strace $0x8FFFFFFF  }
0x99: {  	s19 =	sld [smem:$0x3FDB];
	_ =	sdelay $0x1  }
0x9a: {  	s5 =	simm.s32 $_scs_section_size  }
0x9b: {  	s6 =	simm.s32 $_size__tile_overlayer_lowered;
	s7 =	simm.s32 $_tile_overlayer_lowered  }
0x9c: {  	s22 =	simm.s32 $0x1BFF;
	s21 =	sshll.u32 s7, $0x1;
	s4 =	sadd.s32 s5, s19  }
0x9d: {  	s8 =	simm.s32 $0x0;
	s20 =	sshll.u32 s6, $0x1;
	s6 =	sadd.s32 s21, s4  }
0x9e: {  	[timem:s8], [sflag:s22] =	dma.local [hbm:s6], s20  }
0x9f: {  	_ =	swait.ge [sflag:s22], s20  }
0xa0: {  	s5 =	ssub.s32 $0x0, s20;
	[sflag:s22] =	ssyncset.done $0x0  }
0xa1: {  	[sflag:s22] =	ssyncadd.s32 s5;
	_ =	sdelay $0x1  }
0xa2: {  	s23 =	simm.s32 $0x1B8B  }
0xa3: {  	_ =	swait.ge [sflag:s23], $0x1  }
0xa4: {  	[sflag:s23] =	ssyncset.done $0x0  }
0xa5: {  	s25 =	simm.s32 $0x1B8E;
	s24 =	sld [smem:$0x3FFE];
	[sflag:s23] =	ssyncadd.s32 $0xFFFFFFFF  }
0xa6: {  	s26 =	simm.s32 $execute0_lowered;
	[smem:$0x3FD2] =	sst s25  }
0xa7: {  	s6 =	sshll.u32 s26, $0x1;
	_ =	strace $0x80000046;
	[dreg:$0x1] =	wrdreg $0xFFFFFFFF  }
0xa8: {  	s28 =	simm.s32 $_size_execute0_lowered;
	s4 =	sadd.s32 s4, s6;
	[dreg:$0x0] =	wrdreg $0x0  }
0xa9: {  	s6 =	sshll.u32 s28, $0x1;
	[dreg:$0x2] =	wrdreg s4  }
0xaa: {  	[dreg:$0x3] =	wrdreg s6  }
0xab: {  	[dreg:$0x4] =	wrdreg $0xC0  }
0xac: {  	_ =	task [dreg:s8], $0x5FFFF  }
0xad: {  	[dreg:$0x1] =	wrdreg $0xFFFFFFFF  }
0xae: {  	[dreg:$0x0] =	wrdreg $0x60  }
0xaf: {  	[dreg:$0x2] =	wrdreg s2  }
0xb0: {  	[dreg:$0x3] =	wrdreg s24  }
0xb1: {  	[dreg:$0x4] =	wrdreg s18  }
0xb2: {  	[dreg:$0x5] =	wrdreg $0x9  }
0xb3: {  	_ =	task.clear_ibuf [dreg:s8], $0x6FFFF;
	_ =	strace $0x90000046  }
0xb4: {  	s29 =	simm.s32 $0x9;
	_ =	strace $0x80000048  }
0xb5: {  	_ =	swait.ge [sflag:s29], $0x1  }
0xb6: {  	[sflag:s29] =	ssyncadd.s32 $0xFFFFFFFF  }
0xb7: {  	_ =	strace $0x90000048  }
0xb8: {  	_ =	sfence  }
0xb9: {  	s30 =	sld [smem:$0x0];
	_ =	sdelay $0x2  }
0xba: {  	s31 =	sshll.u32 s1, $0xD;
	s1 =	sshrl.u32 s1, $0x2  }
0xbb: {  	s3 =	sand.u32 $0x4000, s31;
	s1 =	sadd.s32 s1, s30  }
0xbc: {  	s0 =	sor.u32 s3, s0;
	s1 =	sshll.u32 s1, $0x11  }
0xbd: {  	s0 =	sor.u32 s1, s0  }
0xbe: {  	s0 =	sadd.s32 $0x8F2B, s0  }
0xbf: {  	[sflag:s0] =	ssyncadd.remote.s32 $0x1  }
0xc0: {  	_ =	sfence.sel $0xFFFF  }
0xc1: {  	[dreg:$0x0] =	wrdreg $0xFFFFFFFF;
	(pc) =	sbr.abs _section_cstart, $3  }
0xc2: {  	[dreg:$0x1] =	wrdreg $0xFFFFFFFF  }
0xc3: {  	_ =	task.clear_ibuf [dreg:s8], $0x2FFFF;
	_ =	strace $0x9FFFFFFF  }
0xc4: {  	(tm) =	ssettm $0x7FFFFFFF  }
0xc5: {  	_ =	shalt  }
tec
execute0_lowered:
.L_overlay_start_1:
0x0: {  	(tag) =	ssettag $0x1  }
0x1: {  	s0 =	rddreg [dreg:$0x0]  }
0x2: {  	s5 =	rddreg [dreg:$0x1]  }
0x3: {  	s1 =	srdreg.scid;
	s2 =	rddreg [dreg:$0x2]  }
0x4: {  	s6 =	stileid.u32;
	s3 =	simm.s32 $0x0;
	s9 =	simm.s32 $0x9  }
0x5: {  	s11 =	simm.s32 $0x68;
	s12 =	simm.s32 $0x9600;
	s13 =	simm.s32 $0x60  }
0x6: {  	s16 =	simm.s32 $0xC800;
	s19 =	simm.s32 $0xFA00;
	s20 =	simm.s32 $0x11400  }
0x7: {  	s21 =	simm.s32 $0x1;
	s22 =	simm.s32 $0x40;
	s23 =	simm.s32 $0x80  }
0x8: {  	s24 =	simm.s32 $0x12C00;
	s25 =	simm.s32 $0x14600;
	s28 =	simm.s32 $0x5  }
0x9: {  	s29 =	simm.s32 $0x3;
	s30 =	simm.s32 $0x6;
	s31 =	simm.s32 $0x4  }
0xa: {  	s10 =	simm.s32 $0x0;
	s1 =	sand.u32 $0x1, s1;
	[smem:$0x7FF] =	sst s3  }
0xb: {  	s4 =	sshll.u32 s1, $0x4;
	s1 =	ssub.s32 $0x2, s1;
	_ =	strace $0x80000047  }
0xc: {  	s6 =	sor.u32 s6, s4;
	s4 =	sadd.s32 $0x1E84E00, s5;
	s8 =	sshrl.u32 s1, $0x1  }
0xd: {  	s5 =	sadd.s32 $0x600, s5;
	s7 =	smul.u32 $0xC80, s6;
	s1 =	ssub.s32 s1, s8  }
0xe: {  	[dreg:$0x4] =	wrdreg s5;
	s26 =	smax.u32 s1, $0x1;
	s1 =	simm.s32 $0x8  }
0xf: {  	s0 =	sadd.s32 s0, s7;
	s7 =	sshll.u32 s6, $0x7;
	[dreg:$0x6] =	wrdreg s26  }
0x10: {  	s26 =	simm.s32 $0x2;
	[dreg:$0x5] =	wrdreg s0;
	s0 =	simm.s32 $0x7  }
.LBB2_1:
0x11: {  	s5 =	rddreg [dreg:$0x5]  }
0x12: {  	[tilespmem:s3], [sflag:$0x9] =	stream.linear.gather [hbm4b:s5+s3], $0x6400, $0x38;
	[tilespmem:$0x15E00] =	vst v63  }
0x13: {  	_ =	swait.ge [sflag:s9], $0x6400  }
0x14: {  	[sflag:s9] =	ssyncset.done $0x0  }
0x15: {  	s6 =	simm.s32 $0x6400;
	s8 =	rddreg [dreg:$0x4];
	[sflag:s9] =	ssyncadd.s32 $0xFFFF9C00  }
0x16: {  	[tilespmem:s6], [sflag:$0x9] =	stream.linear.gather [hbm4b:s8+s3], $0x3200, $0x38;
	[tilespmem:$0x15E00] =	vst v63  }
0x17: {  	_ =	swait.ge [sflag:s9], $0x3200  }
0x18: {  	[sflag:s9] =	ssyncset.done $0x0  }
0x19: {  	[sflag:s9] =	ssyncadd.s32 $0xFFFFCE00  }
0x1a: {  	[tilespmem:s12], [sflag:$0x1] =	stream.indirect.gather [hbm4b:s4+s11], $0x40, s3, s11, $0xb8;
	[tilespmem:$0x15E00] =	vst v63  }
0x1b: {  	s14 =	simm.s32 $0xB000  }
0x1c: {  	[tilespmem:s14], [sflag:$0x1] =	stream.indirect.gather [hbm4b:s4+s13], $0x40, s11, s13, $0xb8;
	[tilespmem:$0x15E00] =	vst v63  }
0x1d: {  	s15 =	simm.s32 $0xC8  }
0x1e: {  	[tilespmem:s16], [sflag:$0x2] =	stream.indirect.gather [hbm4b:s4+s11], $0x40, s15, s11, $0xb8;
	[tilespmem:$0x15E00] =	vst v63  }
0x1f: {  	s17 =	simm.s32 $0x130;
	s18 =	simm.s32 $0xE200;
	s14 =	simm.s32 $0x0  }
0x20: {  	[tilespmem:s18], [sflag:$0x2] =	stream.indirect.gather [hbm4b:s4+s13], $0x40, s17, s13, $0xb8;
	[tilespmem:$0x15E00] =	vst v63  }
.LBB2_2:
0x21: {  	s18 =	sshll.u32 s14, $0x2;
	p0 =	seq.s32 s14, $0x0  }
0x22: {  	s5 =	simm.s32 @!p0 $0x7;
	s17 =	sor.u32 $0x2, s18  }
0x23: {  	_ =	swait.ge @!p0 [sflag:s5], $0x3200;
	s6 =	smul.u32 $0x320, s17  }
0x24: {  	[sflag:s5] =	ssyncset.done @!p0 $0x0  }
0x25: {  	[sflag:s5] =	ssyncadd.s32 @!p0 $0xFFFFCE00;
	s15 =	sshra.s32 s6, $0x2  }
0x26: {  	[tilespmem:s19], [sflag:$0x3] =	stream.indirect.gather [hbm4b:s4+s11], $0x40, s15, s11, $0xb8;
	[tilespmem:$0x15E00] =	vst v63  }
0x27: {  	s5 =	sadd.s32 $0x68, s15  }
0x28: {  	[tilespmem:s20], [sflag:$0x3] =	stream.indirect.gather [hbm4b:s4+s13], $0x40, s5, s13, $0xb8;
	[tilespmem:$0x15E00] =	vst v63  }
0x29: {  	_ =	swait.ge [sflag:s21], $0x1A00  }
0x2a: {  	[sflag:s21] =	ssyncset.done $0x0  }
0x2b: {  	[sflag:s21] =	ssyncadd.s32 $0xFFFFE600  }
0x2c: {  	_ =	swait.ge [sflag:s21], $0x1800  }
0x2d: {  	[sflag:s21] =	ssyncset.done $0x0  }
0x2e: {  	s5 =	simm.s32 $0x0;
	[sflag:s21] =	ssyncadd.s32 $0xFFFFE800  }
0x2f: {  	v0 =	vld [tilespmem:s5+$0x64F0]  }
0x30: {  	v1 =	vld [tilespmem:s5+$0x6400]  }
0x31: {  	v2 =	vld [tilespmem:s5+$0x6410]  }
0x32: {  	v3 =	vld [tilespmem:s5+$0x6420]  }
0x33: {  	v4 =	vld [tilespmem:s5+$0x6430]  }
0x34: {  	v5 =	vld [tilespmem:s5+$0x6440]  }
0x35: {  	v6 =	vld [tilespmem:s5+$0x6450]  }
0x36: {  	v7 =	vld [tilespmem:s5+$0x6460]  }
0x37: {  	v8 =	vld [tilespmem:s5+$0x6470]  }
0x38: {  	v9 =	vld [tilespmem:s5+$0x6480]  }
0x39: {  	v10 =	vld [tilespmem:s5+$0x6490]  }
0x3a: {  	v11 =	vld [tilespmem:s5+$0x64A0]  }
0x3b: {  	v12 =	vld [tilespmem:s5+$0x64B0]  }
0x3c: {  	v13 =	vld [tilespmem:s5+$0x64C0]  }
0x3d: {  	v14 =	vld [tilespmem:s5+$0x64D0]  }
0x3e: {  	[tilespmem:s5+$0x96F0] =	vst.add.f32.msk $0xffff, v0  }
0x3f: {  	v0 =	vld [tilespmem:s5+$0x64E0]  }
0x40: {  	[tilespmem:s5+$0x9600] =	vst.add.f32.msk $0xffff, v1  }
0x41: {  	[tilespmem:s5+$0x9610] =	vst.add.f32.msk $0xffff, v2  }
0x42: {  	[tilespmem:s5+$0x9620] =	vst.add.f32.msk $0xffff, v3  }
0x43: {  	[tilespmem:s5+$0x9630] =	vst.add.f32.msk $0xffff, v4  }
0x44: {  	[tilespmem:s5+$0x9640] =	vst.add.f32.msk $0xffff, v5  }
0x45: {  	[tilespmem:s5+$0x9650] =	vst.add.f32.msk $0xffff, v6  }
0x46: {  	[tilespmem:s5+$0x9660] =	vst.add.f32.msk $0xffff, v7  }
0x47: {  	[tilespmem:s5+$0x9670] =	vst.add.f32.msk $0xffff, v8  }
0x48: {  	[tilespmem:s5+$0x9680] =	vst.add.f32.msk $0xffff, v9  }
0x49: {  	[tilespmem:s5+$0x9690] =	vst.add.f32.msk $0xffff, v10  }
0x4a: {  	[tilespmem:s5+$0x96A0] =	vst.add.f32.msk $0xffff, v11  }
0x4b: {  	[tilespmem:s5+$0x96B0] =	vst.add.f32.msk $0xffff, v12  }
0x4c: {  	[tilespmem:s5+$0x96C0] =	vst.add.f32.msk $0xffff, v13  }
0x4d: {  	s6 =	simm.s32 $0x400;
	s15 =	simm.s32 $0x0;
	[tilespmem:s5+$0x96D0] =	vst.add.f32.msk $0xffff, v14  }
.LBB2_3:
0x4e: {  	s15 =	sadd.s32 $0x4, s15;
	[tilespmem:s5+$0x96E0] =	vst.add.f32.msk $0xffff, v0;
	s5 =	sshra.s32 s6, $0x2  }
0x4f: {  	v0 =	vld [tilespmem:s5+$0x64F0];
	p1 =	slt.u32 s15, $0xC4  }
0x50: {  	v1 =	vld [tilespmem:s5+$0x6400]  }
0x51: {  	v2 =	vld [tilespmem:s5+$0x6410]  }
0x52: {  	v3 =	vld [tilespmem:s5+$0x6420]  }
0x53: {  	v4 =	vld [tilespmem:s5+$0x6430]  }
0x54: {  	[tilespmem:s5+$0x96F0] =	vst.add.f32.msk $0xffff, v0  }
0x55: {  	v5 =	vld [tilespmem:s5+$0x6440]  }
0x56: {  	v6 =	vld [tilespmem:s5+$0x6450]  }
0x57: {  	v7 =	vld [tilespmem:s5+$0x6460]  }
0x58: {  	v8 =	vld [tilespmem:s5+$0x6470]  }
0x59: {  	v9 =	vld [tilespmem:s5+$0x6480]  }
0x5a: {  	v10 =	vld [tilespmem:s5+$0x6490]  }
0x5b: {  	v11 =	vld [tilespmem:s5+$0x64A0]  }
0x5c: {  	v12 =	vld [tilespmem:s5+$0x64B0]  }
0x5d: {  	v13 =	vld [tilespmem:s5+$0x64C0]  }
0x5e: {  	v14 =	vld [tilespmem:s5+$0x64D0]  }
0x5f: {  	v0 =	vld [tilespmem:s5+$0x64E0]  }
0x60: {  	[tilespmem:s5+$0x9600] =	vst.add.f32.msk $0xffff, v1  }
0x61: {  	[tilespmem:s5+$0x9610] =	vst.add.f32.msk $0xffff, v2  }
0x62: {  	[tilespmem:s5+$0x9620] =	vst.add.f32.msk $0xffff, v3  }
0x63: {  	[tilespmem:s5+$0x9630] =	vst.add.f32.msk $0xffff, v4  }
0x64: {  	[tilespmem:s5+$0x9640] =	vst.add.f32.msk $0xffff, v5  }
0x65: {  	[tilespmem:s5+$0x9650] =	vst.add.f32.msk $0xffff, v6  }
0x66: {  	[tilespmem:s5+$0x9660] =	vst.add.f32.msk $0xffff, v7  }
0x67: {  	[tilespmem:s5+$0x9670] =	vst.add.f32.msk $0xffff, v8  }
0x68: {  	[tilespmem:s5+$0x9680] =	vst.add.f32.msk $0xffff, v9  }
.Ltmp0:
0x69: {  	[tilespmem:s5+$0x9690] =	vst.add.f32.msk $0xffff, v10;
	(pc) =	sbr.rel @p1 .LBB2_3-.Ltmp0, $4  }
0x6a: {  	[tilespmem:s5+$0x96A0] =	vst.add.f32.msk $0xffff, v11  }
0x6b: {  	[tilespmem:s5+$0x96B0] =	vst.add.f32.msk $0xffff, v12  }
0x6c: {  	[tilespmem:s5+$0x96C0] =	vst.add.f32.msk $0xffff, v13  }
0x6d: {  	s6 =	sadd.s32 $0x400, s6;
	[tilespmem:s5+$0x96D0] =	vst.add.f32.msk $0xffff, v14  }
0x6e: {  	s6 =	sadd.s32 s7, s18  }
0x6f: {  	s6 =	smul.u32 $0xC80, s6;
	_ =	sdelay $0x1  }
0x70: {  	[tilespmem:s5+$0x96E0] =	vst.add.f32.msk $0xffff, v0;
	s5 =	simm.s32 @!p0 $0x8;
	s15 =	sor.u32 $0x3, s18;
	s6 =	sadd.s32 s2, s6  }
0x71: {  	[hbm4b:s6+s22] =	stream.strided.scatter [tilespmem:s12], [sflag:$0x5], $0x3200, s23, s22, $0x38;
	[tilespmem:$0x15E00] =	vst v63  }
0x72: {  	s8 =	smul.u32 $0x320, s15;
	_ =	swait.ge @!p0 [sflag:s5], $0x3200  }
0x73: {  	[sflag:s5] =	ssyncset.done @!p0 $0x0  }
0x74: {  	s8 =	sshra.s32 s8, $0x2;
	[sflag:s5] =	ssyncadd.s32 @!p0 $0xFFFFCE00  }
0x75: {  	[tilespmem:s24], [sflag:$0x4] =	stream.indirect.gather [hbm4b:s4+s11], $0x40, s8, s11, $0xb8;
	[tilespmem:$0x15E00] =	vst v63  }
0x76: {  	s5 =	sadd.s32 $0x68, s8  }
0x77: {  	[tilespmem:s25], [sflag:$0x4] =	stream.indirect.gather [hbm4b:s4+s13], $0x40, s5, s13, $0xb8;
	[tilespmem:$0x15E00] =	vst v63  }
0x78: {  	_ =	swait.ge [sflag:s26], $0x1A00  }
0x79: {  	[sflag:s26] =	ssyncset.done $0x0  }
0x7a: {  	[sflag:s26] =	ssyncadd.s32 $0xFFFFE600  }
0x7b: {  	_ =	swait.ge [sflag:s26], $0x1800  }
0x7c: {  	[sflag:s26] =	ssyncset.done $0x0  }
0x7d: {  	s5 =	simm.s32 $0x0;
	[sflag:s26] =	ssyncadd.s32 $0xFFFFE800  }
0x7e: {  	v0 =	vld [tilespmem:s5+$0x64F0]  }
0x7f: {  	v1 =	vld [tilespmem:s5+$0x6400]  }
0x80: {  	v2 =	vld [tilespmem:s5+$0x6410]  }
0x81: {  	v3 =	vld [tilespmem:s5+$0x6420]  }
0x82: {  	v4 =	vld [tilespmem:s5+$0x6430]  }
0x83: {  	v5 =	vld [tilespmem:s5+$0x6440]  }
0x84: {  	v6 =	vld [tilespmem:s5+$0x6450]  }
0x85: {  	v7 =	vld [tilespmem:s5+$0x6460]  }
0x86: {  	v8 =	vld [tilespmem:s5+$0x6470]  }
0x87: {  	v9 =	vld [tilespmem:s5+$0x6480]  }
0x88: {  	v10 =	vld [tilespmem:s5+$0x6490]  }
0x89: {  	v11 =	vld [tilespmem:s5+$0x64A0]  }
0x8a: {  	v12 =	vld [tilespmem:s5+$0x64B0]  }
0x8b: {  	v13 =	vld [tilespmem:s5+$0x64C0]  }
0x8c: {  	v14 =	vld [tilespmem:s5+$0x64D0]  }
0x8d: {  	[tilespmem:s5+$0xC8F0] =	vst.add.f32.msk $0xffff, v0  }
0x8e: {  	v0 =	vld [tilespmem:s5+$0x64E0]  }
0x8f: {  	[tilespmem:s5+$0xC800] =	vst.add.f32.msk $0xffff, v1  }
0x90: {  	[tilespmem:s5+$0xC810] =	vst.add.f32.msk $0xffff, v2  }
0x91: {  	[tilespmem:s5+$0xC820] =	vst.add.f32.msk $0xffff, v3  }
0x92: {  	[tilespmem:s5+$0xC830] =	vst.add.f32.msk $0xffff, v4  }
0x93: {  	[tilespmem:s5+$0xC840] =	vst.add.f32.msk $0xffff, v5  }
0x94: {  	[tilespmem:s5+$0xC850] =	vst.add.f32.msk $0xffff, v6  }
0x95: {  	[tilespmem:s5+$0xC860] =	vst.add.f32.msk $0xffff, v7  }
0x96: {  	[tilespmem:s5+$0xC870] =	vst.add.f32.msk $0xffff, v8  }
0x97: {  	[tilespmem:s5+$0xC880] =	vst.add.f32.msk $0xffff, v9  }
0x98: {  	[tilespmem:s5+$0xC890] =	vst.add.f32.msk $0xffff, v10  }
0x99: {  	[tilespmem:s5+$0xC8A0] =	vst.add.f32.msk $0xffff, v11  }
0x9a: {  	[tilespmem:s5+$0xC8B0] =	vst.add.f32.msk $0xffff, v12  }
0x9b: {  	[tilespmem:s5+$0xC8C0] =	vst.add.f32.msk $0xffff, v13  }
0x9c: {  	s18 =	sor.u32 $0x1, s18;
	s6 =	simm.s32 $0x0;
	s8 =	simm.s32 $0x400;
	[tilespmem:s5+$0xC8D0] =	vst.add.f32.msk $0xffff, v14  }
.LBB2_5:
0x9d: {  	s6 =	sadd.s32 $0x4, s6;
	[tilespmem:s5+$0xC8E0] =	vst.add.f32.msk $0xffff, v0;
	s5 =	sshra.s32 s8, $0x2  }
0x9e: {  	v0 =	vld [tilespmem:s5+$0x64F0];
	p0 =	slt.u32 s6, $0xC4  }
0x9f: {  	v1 =	vld [tilespmem:s5+$0x6400]  }
0xa0: {  	v2 =	vld [tilespmem:s5+$0x6410]  }
0xa1: {  	v3 =	vld [tilespmem:s5+$0x6420]  }
0xa2: {  	v4 =	vld [tilespmem:s5+$0x6430]  }
0xa3: {  	[tilespmem:s5+$0xC8F0] =	vst.add.f32.msk $0xffff, v0  }
0xa4: {  	v5 =	vld [tilespmem:s5+$0x6440]  }
0xa5: {  	v6 =	vld [tilespmem:s5+$0x6450]  }
0xa6: {  	v7 =	vld [tilespmem:s5+$0x6460]  }
0xa7: {  	v8 =	vld [tilespmem:s5+$0x6470]  }
0xa8: {  	v9 =	vld [tilespmem:s5+$0x6480]  }
0xa9: {  	v10 =	vld [tilespmem:s5+$0x6490]  }
0xaa: {  	v11 =	vld [tilespmem:s5+$0x64A0]  }
0xab: {  	v12 =	vld [tilespmem:s5+$0x64B0]  }
0xac: {  	v13 =	vld [tilespmem:s5+$0x64C0]  }
0xad: {  	v14 =	vld [tilespmem:s5+$0x64D0]  }
0xae: {  	v0 =	vld [tilespmem:s5+$0x64E0]  }
0xaf: {  	[tilespmem:s5+$0xC800] =	vst.add.f32.msk $0xffff, v1  }
0xb0: {  	[tilespmem:s5+$0xC810] =	vst.add.f32.msk $0xffff, v2  }
0xb1: {  	[tilespmem:s5+$0xC820] =	vst.add.f32.msk $0xffff, v3  }
0xb2: {  	[tilespmem:s5+$0xC830] =	vst.add.f32.msk $0xffff, v4  }
0xb3: {  	[tilespmem:s5+$0xC840] =	vst.add.f32.msk $0xffff, v5  }
0xb4: {  	[tilespmem:s5+$0xC850] =	vst.add.f32.msk $0xffff, v6  }
0xb5: {  	[tilespmem:s5+$0xC860] =	vst.add.f32.msk $0xffff, v7  }
0xb6: {  	[tilespmem:s5+$0xC870] =	vst.add.f32.msk $0xffff, v8  }
0xb7: {  	[tilespmem:s5+$0xC880] =	vst.add.f32.msk $0xffff, v9  }
.Ltmp1:
0xb8: {  	[tilespmem:s5+$0xC890] =	vst.add.f32.msk $0xffff, v10;
	(pc) =	sbr.rel @p0 .LBB2_5-.Ltmp1, $4  }
0xb9: {  	[tilespmem:s5+$0xC8A0] =	vst.add.f32.msk $0xffff, v11  }
0xba: {  	[tilespmem:s5+$0xC8B0] =	vst.add.f32.msk $0xffff, v12  }
0xbb: {  	[tilespmem:s5+$0xC8C0] =	vst.add.f32.msk $0xffff, v13  }
0xbc: {  	s8 =	sadd.s32 $0x400, s8;
	[tilespmem:s5+$0xC8D0] =	vst.add.f32.msk $0xffff, v14  }
0xbd: {  	s6 =	sadd.s32 s7, s18  }
0xbe: {  	s6 =	smul.u32 $0xC80, s6  }
0xbf: {  	p0 =	seq.s32 s14, $0x1F  }
0xc0: {  	[tilespmem:s5+$0xC8E0] =	vst.add.f32.msk $0xffff, v0;
	s5 =	smul.u32 @!p0 $0xC80, s14;
	s18 =	sadd.s32 s2, s6  }
0xc1: {  	[hbm4b:s18+s22] =	stream.strided.scatter [tilespmem:s16], [sflag:$0x6], $0x3200, s23, s22, $0x38;
	[tilespmem:$0x15E00] =	vst v63  }
0xc2: {  	_ =	swait.ge [sflag:s28], $0x3200  }
0xc3: {  	s8 =	simm.s32 @!p0 $0x9600;
	s18 =	sshra.s32 @!p0 s5, $0x2;
	[sflag:s28] =	ssyncset.done $0x0  }
0xc4: {  	s6 =	simm.s32 @!p0 $0x68;
	s5 =	sadd.s32 @!p0 $0x320, s18;
	[sflag:s28] =	ssyncadd.s32 $0xFFFFCE00  }
0xc5: {  	[tilespmem:s8], [sflag:$0x1] =	stream.indirect.gather @!p0 [hbm4b:s4+s6], $0x40, s5, s6, $0xb8;
	[tilespmem:$0x15E00] =	vst v63  }
0xc6: {  	s5 =	sadd.s32 @!p0 $0x388, s18;
	s6 =	simm.s32 @!p0 $0x60;
	s8 =	simm.s32 @!p0 $0xB000  }
0xc7: {  	[tilespmem:s8], [sflag:$0x1] =	stream.indirect.gather @!p0 [hbm4b:s4+s6], $0x40, s5, s6, $0xb8;
	[tilespmem:$0x15E00] =	vst v63  }
0xc8: {  	_ =	swait.ge [sflag:s29], $0x1A00  }
0xc9: {  	[sflag:s29] =	ssyncset.done $0x0  }
0xca: {  	[sflag:s29] =	ssyncadd.s32 $0xFFFFE600  }
0xcb: {  	_ =	swait.ge [sflag:s29], $0x1800  }
0xcc: {  	[sflag:s29] =	ssyncset.done $0x0  }
0xcd: {  	s5 =	simm.s32 $0x0;
	[sflag:s29] =	ssyncadd.s32 $0xFFFFE800  }
0xce: {  	v0 =	vld [tilespmem:s5+$0x64F0]  }
0xcf: {  	v1 =	vld [tilespmem:s5+$0x6400]  }
0xd0: {  	v2 =	vld [tilespmem:s5+$0x6410]  }
0xd1: {  	v3 =	vld [tilespmem:s5+$0x6420]  }
0xd2: {  	v4 =	vld [tilespmem:s5+$0x6430]  }
0xd3: {  	v5 =	vld [tilespmem:s5+$0x6440]  }
0xd4: {  	v6 =	vld [tilespmem:s5+$0x6450]  }
0xd5: {  	v7 =	vld [tilespmem:s5+$0x6460]  }
0xd6: {  	v8 =	vld [tilespmem:s5+$0x6470]  }
0xd7: {  	v9 =	vld [tilespmem:s5+$0x6480]  }
0xd8: {  	v10 =	vld [tilespmem:s5+$0x6490]  }
0xd9: {  	v11 =	vld [tilespmem:s5+$0x64A0]  }
0xda: {  	v12 =	vld [tilespmem:s5+$0x64B0]  }
0xdb: {  	v13 =	vld [tilespmem:s5+$0x64C0]  }
0xdc: {  	v14 =	vld [tilespmem:s5+$0x64D0]  }
0xdd: {  	[tilespmem:s5+$0xFAF0] =	vst.add.f32.msk $0xffff, v0  }
0xde: {  	v0 =	vld [tilespmem:s5+$0x64E0]  }
0xdf: {  	[tilespmem:s5+$0xFA00] =	vst.add.f32.msk $0xffff, v1  }
0xe0: {  	[tilespmem:s5+$0xFA10] =	vst.add.f32.msk $0xffff, v2  }
0xe1: {  	[tilespmem:s5+$0xFA20] =	vst.add.f32.msk $0xffff, v3  }
0xe2: {  	[tilespmem:s5+$0xFA30] =	vst.add.f32.msk $0xffff, v4  }
0xe3: {  	[tilespmem:s5+$0xFA40] =	vst.add.f32.msk $0xffff, v5  }
0xe4: {  	[tilespmem:s5+$0xFA50] =	vst.add.f32.msk $0xffff, v6  }
0xe5: {  	[tilespmem:s5+$0xFA60] =	vst.add.f32.msk $0xffff, v7  }
0xe6: {  	[tilespmem:s5+$0xFA70] =	vst.add.f32.msk $0xffff, v8  }
0xe7: {  	[tilespmem:s5+$0xFA80] =	vst.add.f32.msk $0xffff, v9  }
0xe8: {  	[tilespmem:s5+$0xFA90] =	vst.add.f32.msk $0xffff, v10  }
0xe9: {  	[tilespmem:s5+$0xFAA0] =	vst.add.f32.msk $0xffff, v11  }
0xea: {  	[tilespmem:s5+$0xFAB0] =	vst.add.f32.msk $0xffff, v12  }
0xeb: {  	[tilespmem:s5+$0xFAC0] =	vst.add.f32.msk $0xffff, v13  }
0xec: {  	s6 =	simm.s32 $0x0;
	s8 =	simm.s32 $0x400;
	[tilespmem:s5+$0xFAD0] =	vst.add.f32.msk $0xffff, v14  }
.LBB2_7:
0xed: {  	s6 =	sadd.s32 $0x4, s6;
	[tilespmem:s5+$0xFAE0] =	vst.add.f32.msk $0xffff, v0;
	s5 =	sshra.s32 s8, $0x2  }
0xee: {  	v0 =	vld [tilespmem:s5+$0x64F0];
	p1 =	slt.u32 s6, $0xC4  }
0xef: {  	v1 =	vld [tilespmem:s5+$0x6400]  }
0xf0: {  	v2 =	vld [tilespmem:s5+$0x6410]  }
0xf1: {  	v3 =	vld [tilespmem:s5+$0x6420]  }
0xf2: {  	v4 =	vld [tilespmem:s5+$0x6430]  }
0xf3: {  	[tilespmem:s5+$0xFAF0] =	vst.add.f32.msk $0xffff, v0  }
0xf4: {  	v5 =	vld [tilespmem:s5+$0x6440]  }
0xf5: {  	v6 =	vld [tilespmem:s5+$0x6450]  }
0xf6: {  	v7 =	vld [tilespmem:s5+$0x6460]  }
0xf7: {  	v8 =	vld [tilespmem:s5+$0x6470]  }
0xf8: {  	v9 =	vld [tilespmem:s5+$0x6480]  }
0xf9: {  	v10 =	vld [tilespmem:s5+$0x6490]  }
0xfa: {  	v11 =	vld [tilespmem:s5+$0x64A0]  }
0xfb: {  	v12 =	vld [tilespmem:s5+$0x64B0]  }
0xfc: {  	v13 =	vld [tilespmem:s5+$0x64C0]  }
0xfd: {  	v14 =	vld [tilespmem:s5+$0x64D0]  }
0xfe: {  	v0 =	vld [tilespmem:s5+$0x64E0]  }
0xff: {  	[tilespmem:s5+$0xFA00] =	vst.add.f32.msk $0xffff, v1  }
0x100: {  	[tilespmem:s5+$0xFA10] =	vst.add.f32.msk $0xffff, v2  }
0x101: {  	[tilespmem:s5+$0xFA20] =	vst.add.f32.msk $0xffff, v3  }
0x102: {  	[tilespmem:s5+$0xFA30] =	vst.add.f32.msk $0xffff, v4  }
0x103: {  	[tilespmem:s5+$0xFA40] =	vst.add.f32.msk $0xffff, v5  }
0x104: {  	[tilespmem:s5+$0xFA50] =	vst.add.f32.msk $0xffff, v6  }
0x105: {  	[tilespmem:s5+$0xFA60] =	vst.add.f32.msk $0xffff, v7  }
0x106: {  	[tilespmem:s5+$0xFA70] =	vst.add.f32.msk $0xffff, v8  }
0x107: {  	[tilespmem:s5+$0xFA80] =	vst.add.f32.msk $0xffff, v9  }
.Ltmp2:
0x108: {  	[tilespmem:s5+$0xFA90] =	vst.add.f32.msk $0xffff, v10;
	(pc) =	sbr.rel @p1 .LBB2_7-.Ltmp2, $4  }
0x109: {  	[tilespmem:s5+$0xFAA0] =	vst.add.f32.msk $0xffff, v11  }
0x10a: {  	[tilespmem:s5+$0xFAB0] =	vst.add.f32.msk $0xffff, v12  }
0x10b: {  	[tilespmem:s5+$0xFAC0] =	vst.add.f32.msk $0xffff, v13  }
0x10c: {  	s8 =	sadd.s32 $0x400, s8;
	[tilespmem:s5+$0xFAD0] =	vst.add.f32.msk $0xffff, v14  }
0x10d: {  	s6 =	sadd.s32 s7, s17  }
0x10e: {  	s6 =	smul.u32 $0xC80, s6;
	_ =	sdelay $0x1  }
0x10f: {  	[tilespmem:s5+$0xFAE0] =	vst.add.f32.msk $0xffff, v0;
	s17 =	sadd.s32 s2, s6  }
0x110: {  	[hbm4b:s17+s22] =	stream.strided.scatter [tilespmem:s19], [sflag:$0x7], $0x3200, s23, s22, $0x38;
	[tilespmem:$0x15E00] =	vst v63  }
0x111: {  	_ =	swait.ge [sflag:s30], $0x3200  }
0x112: {  	s5 =	sadd.s32 @!p0 $0x3E8, s18;
	[sflag:s30] =	ssyncset.done $0x0  }
0x113: {  	s8 =	simm.s32 @!p0 $0xC800;
	s6 =	simm.s32 @!p0 $0x68;
	[sflag:s30] =	ssyncadd.s32 $0xFFFFCE00  }
0x114: {  	[tilespmem:s8], [sflag:$0x2] =	stream.indirect.gather @!p0 [hbm4b:s4+s6], $0x40, s5, s6, $0xb8;
	[tilespmem:$0x15E00] =	vst v63  }
0x115: {  	s5 =	sadd.s32 @!p0 $0x450, s18;
	s6 =	simm.s32 @!p0 $0x60;
	s8 =	simm.s32 @!p0 $0xE200  }
0x116: {  	[tilespmem:s8], [sflag:$0x2] =	stream.indirect.gather @!p0 [hbm4b:s4+s6], $0x40, s5, s6, $0xb8;
	[tilespmem:$0x15E00] =	vst v63  }
0x117: {  	_ =	swait.ge [sflag:s31], $0x1A00  }
0x118: {  	[sflag:s31] =	ssyncset.done $0x0  }
0x119: {  	[sflag:s31] =	ssyncadd.s32 $0xFFFFE600  }
0x11a: {  	_ =	swait.ge [sflag:s31], $0x1800  }
0x11b: {  	[sflag:s31] =	ssyncset.done $0x0  }
0x11c: {  	s5 =	simm.s32 $0x0;
	[sflag:s31] =	ssyncadd.s32 $0xFFFFE800  }
0x11d: {  	v0 =	vld [tilespmem:s5+$0x64F0]  }
0x11e: {  	v1 =	vld [tilespmem:s5+$0x6400]  }
0x11f: {  	v2 =	vld [tilespmem:s5+$0x6410]  }
0x120: {  	v3 =	vld [tilespmem:s5+$0x6420]  }
0x121: {  	v4 =	vld [tilespmem:s5+$0x6430]  }
0x122: {  	v5 =	vld [tilespmem:s5+$0x6440]  }
0x123: {  	v6 =	vld [tilespmem:s5+$0x6450]  }
0x124: {  	v7 =	vld [tilespmem:s5+$0x6460]  }
0x125: {  	v8 =	vld [tilespmem:s5+$0x6470]  }
0x126: {  	v9 =	vld [tilespmem:s5+$0x6480]  }
0x127: {  	v10 =	vld [tilespmem:s5+$0x6490]  }
0x128: {  	v11 =	vld [tilespmem:s5+$0x64A0]  }
0x129: {  	v12 =	vld [tilespmem:s5+$0x64B0]  }
0x12a: {  	v13 =	vld [tilespmem:s5+$0x64C0]  }
0x12b: {  	v14 =	vld [tilespmem:s5+$0x64D0]  }
0x12c: {  	[tilespmem:s5+$0x12CF0] =	vst.add.f32.msk $0xffff, v0  }
0x12d: {  	v0 =	vld [tilespmem:s5+$0x64E0]  }
0x12e: {  	[tilespmem:s5+$0x12C00] =	vst.add.f32.msk $0xffff, v1  }
0x12f: {  	[tilespmem:s5+$0x12C10] =	vst.add.f32.msk $0xffff, v2  }
0x130: {  	[tilespmem:s5+$0x12C20] =	vst.add.f32.msk $0xffff, v3  }
0x131: {  	[tilespmem:s5+$0x12C30] =	vst.add.f32.msk $0xffff, v4  }
0x132: {  	[tilespmem:s5+$0x12C40] =	vst.add.f32.msk $0xffff, v5  }
0x133: {  	[tilespmem:s5+$0x12C50] =	vst.add.f32.msk $0xffff, v6  }
0x134: {  	[tilespmem:s5+$0x12C60] =	vst.add.f32.msk $0xffff, v7  }
0x135: {  	[tilespmem:s5+$0x12C70] =	vst.add.f32.msk $0xffff, v8  }
0x136: {  	[tilespmem:s5+$0x12C80] =	vst.add.f32.msk $0xffff, v9  }
0x137: {  	[tilespmem:s5+$0x12C90] =	vst.add.f32.msk $0xffff, v10  }
0x138: {  	[tilespmem:s5+$0x12CA0] =	vst.add.f32.msk $0xffff, v11  }
0x139: {  	[tilespmem:s5+$0x12CB0] =	vst.add.f32.msk $0xffff, v12  }
0x13a: {  	[tilespmem:s5+$0x12CC0] =	vst.add.f32.msk $0xffff, v13  }
0x13b: {  	s6 =	simm.s32 $0x0;
	s8 =	simm.s32 $0x400;
	[tilespmem:s5+$0x12CD0] =	vst.add.f32.msk $0xffff, v14  }
.LBB2_9:
0x13c: {  	s6 =	sadd.s32 $0x4, s6;
	[tilespmem:s5+$0x12CE0] =	vst.add.f32.msk $0xffff, v0;
	s5 =	sshra.s32 s8, $0x2  }
0x13d: {  	v0 =	vld [tilespmem:s5+$0x64F0];
	p0 =	slt.u32 s6, $0xC4  }
0x13e: {  	v1 =	vld [tilespmem:s5+$0x6400]  }
0x13f: {  	v2 =	vld [tilespmem:s5+$0x6410]  }
0x140: {  	v3 =	vld [tilespmem:s5+$0x6420]  }
0x141: {  	v4 =	vld [tilespmem:s5+$0x6430]  }
0x142: {  	[tilespmem:s5+$0x12CF0] =	vst.add.f32.msk $0xffff, v0  }
0x143: {  	v5 =	vld [tilespmem:s5+$0x6440]  }
0x144: {  	v6 =	vld [tilespmem:s5+$0x6450]  }
0x145: {  	v7 =	vld [tilespmem:s5+$0x6460]  }
0x146: {  	v8 =	vld [tilespmem:s5+$0x6470]  }
0x147: {  	v9 =	vld [tilespmem:s5+$0x6480]  }
0x148: {  	v10 =	vld [tilespmem:s5+$0x6490]  }
0x149: {  	v11 =	vld [tilespmem:s5+$0x64A0]  }
0x14a: {  	v12 =	vld [tilespmem:s5+$0x64B0]  }
0x14b: {  	v13 =	vld [tilespmem:s5+$0x64C0]  }
0x14c: {  	v14 =	vld [tilespmem:s5+$0x64D0]  }
0x14d: {  	v0 =	vld [tilespmem:s5+$0x64E0]  }
0x14e: {  	[tilespmem:s5+$0x12C00] =	vst.add.f32.msk $0xffff, v1  }
0x14f: {  	[tilespmem:s5+$0x12C10] =	vst.add.f32.msk $0xffff, v2  }
0x150: {  	[tilespmem:s5+$0x12C20] =	vst.add.f32.msk $0xffff, v3  }
0x151: {  	[tilespmem:s5+$0x12C30] =	vst.add.f32.msk $0xffff, v4  }
0x152: {  	[tilespmem:s5+$0x12C40] =	vst.add.f32.msk $0xffff, v5  }
0x153: {  	[tilespmem:s5+$0x12C50] =	vst.add.f32.msk $0xffff, v6  }
0x154: {  	[tilespmem:s5+$0x12C60] =	vst.add.f32.msk $0xffff, v7  }
0x155: {  	[tilespmem:s5+$0x12C70] =	vst.add.f32.msk $0xffff, v8  }
0x156: {  	[tilespmem:s5+$0x12C80] =	vst.add.f32.msk $0xffff, v9  }
.Ltmp3:
0x157: {  	[tilespmem:s5+$0x12C90] =	vst.add.f32.msk $0xffff, v10;
	(pc) =	sbr.rel @p0 .LBB2_9-.Ltmp3, $4  }
0x158: {  	[tilespmem:s5+$0x12CA0] =	vst.add.f32.msk $0xffff, v11  }
0x159: {  	[tilespmem:s5+$0x12CB0] =	vst.add.f32.msk $0xffff, v12  }
0x15a: {  	[tilespmem:s5+$0x12CC0] =	vst.add.f32.msk $0xffff, v13  }
0x15b: {  	s8 =	sadd.s32 $0x400, s8;
	[tilespmem:s5+$0x12CD0] =	vst.add.f32.msk $0xffff, v14  }
0x15c: {  	s14 =	sadd.s32 $0x1, s14  }
0x15d: {  	p0 =	sne.s32 s14, $0x20  }
.Ltmp4:
0x15e: {  	s6 =	sadd.s32 s7, s15;
	(pc) =	sbr.rel @p0 .LBB2_2-.Ltmp4, $3  }
0x15f: {  	s6 =	smul.u32 $0xC80, s6;
	_ =	sdelay $0x1  }
0x160: {  	[tilespmem:s5+$0x12CE0] =	vst.add.f32.msk $0xffff, v0;
	s18 =	sadd.s32 s2, s6  }
0x161: {  	[hbm4b:s18+s22] =	stream.strided.scatter [tilespmem:s24], [sflag:$0x8], $0x3200, s23, s22, $0x38;
	[tilespmem:$0x15E00] =	vst v63  }
0x162: {  	_ =	swait.ge [sflag:s0], $0x3200  }
0x163: {  	[sflag:s0] =	ssyncset.done $0x0  }
0x164: {  	[sflag:s0] =	ssyncadd.s32 $0xFFFFCE00  }
0x165: {  	_ =	swait.ge [sflag:s1], $0x3200  }
0x166: {  	s10 =	sadd.s32 $0x1, s10;
	s5 =	rddreg [dreg:$0x6]  }
0x167: {  	p0 =	sne.s32 s10, s5  }
.Ltmp5:
0x168: {  	_ = 	snop;
	(pc) =	sbr.rel @p0 .LBB2_1-.Ltmp5, $3  }
0x169: {  	_ =	sdelay $0x1  }
0x16a: {  	[sflag:s1] =	ssyncset.done $0x0  }
0x16b: {  	[sflag:s1] =	ssyncadd.s32 $0xFFFFCE00  }
0x16c: {  	_ =	sfence.sel $0x180000  }
0x16d: {  	[bflag:$0x0] =	sbarrier.arrive $0xFFFF  }
0x16e: {  	_ =	strace $0x90000047  }
0x16f: {  	s0 =	stileid.u32;
	[bflag:$0x2] =	sbarrier.arrive $0xFFFF  }
0x170: {  	p0 =	sne.s32 s0, $0x0;
	s0 =	rddreg [dreg:$0x3]  }
0x171: {  	s0 =	sadd.s32 @!p0 $0x100000, s0  }
0x172: {  	[sflag:s0] =	ssyncadd.tile.s32 @!p0 $0x1;
	_ =	shalt  }
.Lfunc_end2:
_tile_overlayer_lowered:
.L_overlay_start_2:
0x173: {  	(tag) =	ssettag $0x2  }
0x174: {  	s0 =	rddreg [dreg:$0x0];
	s2 =	stileid.u32  }
0x175: {  	s1 =	rddreg [dreg:$0x1];
	p0 =	sne.s32 s2, $0x0  }
0x176: {  	s3 =	rddreg [dreg:$0x2];
	[bflag:$0x3] =	sbarrier.arrive $0xFFFF;
	s2 =	simm.s32 @!p0 $0x1C09  }
0x177: {  	[timem:s3], [sflag:s2] =	dma.local @!p0 [hbm:s0], s1  }
0x178: {  	s0 =	simm.s32 @!p0 $0x9  }
0x179: {  	_ =	swait.ge @!p0 [sflag:s0], s1  }
0x17a: {  	s1 =	ssub.s32 @!p0 $0x0, s1;
	[sflag:s0] =	ssyncset.done @!p0 $0x0  }
0x17b: {  	[sflag:s0] =	ssyncadd.s32 @!p0 s1  }
0x17c: {  	[bflag:$0x3] =	sbarrier.arrive $0xFFFF  }
0x17d: {  	_ =	shalt  }

</sc_bundles>
